<compile_context>
chip_gen: v7x
topology: tpu7x:2x2x1
jax: 0.10.2.dev20260603
libtpu: 0.0.44.dev20260713+nightly
codegen_flags: <defaults>
</compile_context>

<pallas_src>
import dataclasses
import functools

import jax
import jax.numpy as jnp
from jax import lax
from jax.experimental import pallas as pl
from jax.experimental.pallas import tpu as pltpu
from jax.experimental.pallas import tpu_sc as plsc

_N_CORES = 2
_N_SUBCORES = 16
_COLS_PER_TEC = 8
_EDGE_CHUNK = 1280


def _edge_diff_sc(table_t, idx_flat):
    n_feat, n_nodes = table_t.shape
    e_total = idx_flat.shape[0] // 2
    per_core = e_total // _N_CORES
    n_chunks = per_core // _EDGE_CHUNK
    n_pad = 2 * ((n_chunks + 1) // 2)
    mesh = plsc.VectorSubcoreMesh(core_axis_name="c", subcore_axis_name="s")
    cp = pltpu.CompilerParams()
    if "needs_layout_passes" in pltpu.CompilerParams.__dataclass_fields__:
        cp = dataclasses.replace(cp, needs_layout_passes=False)

    @functools.partial(
        pl.kernel,
        mesh=mesh,
        compiler_params=cp,
        out_type=jax.ShapeDtypeStruct((n_feat, e_total), jnp.float32),
        scratch_types=(
            [pltpu.VMEM((_COLS_PER_TEC, n_nodes), jnp.float32)]
            + [pltpu.VMEM((_EDGE_CHUNK,), jnp.int32) for _ in range(4)]
            + [pltpu.VMEM((_COLS_PER_TEC, _EDGE_CHUNK), jnp.float32) for _ in range(2)]
            + [pltpu.SemaphoreType.DMA for _ in range(6)]
        ),
    )
    def k(tab_hbm, idx_hbm, out_hbm, tabv, *scratch):
        ii = scratch[0:2]
        jj = scratch[2:4]
        ov = scratch[4:6]
        sii = scratch[6:8]
        sjj = scratch[8:10]
        sw = scratch[10:12]
        core = lax.axis_index("c")
        sub = lax.axis_index("s")
        ebase = core * per_core
        cbase = sub * _COLS_PER_TEC
        pltpu.sync_copy(tab_hbm.at[pl.ds(cbase, _COLS_PER_TEC)], tabv)
        rowsel = [jnp.full((16,), cc, jnp.int32) for cc in range(_COLS_PER_TEC)]

        def issue_idx(c, par):
            off = ebase + c * _EDGE_CHUNK
            pltpu.async_copy(idx_hbm.at[pl.ds(off, _EDGE_CHUNK)], ii[par], sii[par])
            pltpu.async_copy(
                idx_hbm.at[pl.ds(e_total + off, _EDGE_CHUNK)], jj[par], sjj[par])

        def wait_idx(par):
            pltpu.make_async_copy(
                idx_hbm.at[pl.ds(0, _EDGE_CHUNK)], ii[par], sii[par]).wait()
            pltpu.make_async_copy(
                idx_hbm.at[pl.ds(0, _EDGE_CHUNK)], jj[par], sjj[par]).wait()

        def issue_write(c, par):
            pltpu.async_copy(
                ov[par],
                out_hbm.at[pl.ds(cbase, _COLS_PER_TEC),
                           pl.ds(ebase + c * _EDGE_CHUNK, _EDGE_CHUNK)],
                sw[par])

        def wait_write(par):
            pltpu.make_async_copy(
                ov[par],
                out_hbm.at[pl.ds(0, _COLS_PER_TEC), pl.ds(0, _EDGE_CHUNK)],
                sw[par]).wait()

        issue_idx(0, 0)

        @pl.loop(0, n_pad // 2)
        def _(t):
            for par in (0, 1):
                c = t * 2 + par

                @pl.when(c + 1 < n_chunks)
                def _():
                    issue_idx(c + 1, 1 - par)

                @pl.when(jnp.logical_and(c >= 2, c - 2 < n_chunks))
                def _():
                    wait_write(par)

                @pl.when(c < n_chunks)
                def _():
                    wait_idx(par)

                    @plsc.parallel_loop(0, _EDGE_CHUNK // 16, unroll=4)
                    def _(s):
                        sl = pl.ds(s * 16, 16)
                        i16 = ii[par][sl]
                        j16 = jj[par][sl]
                        for cc in range(_COLS_PER_TEC):
                            vi = plsc.load_gather(tabv, [rowsel[cc], i16])
                            vj = plsc.load_gather(tabv, [rowsel[cc], j16])
                            ov[par][cc, sl] = vi - vj

                    issue_write(c, par)

        if n_pad - 2 < n_chunks:
            wait_write((n_pad - 2) % 2)
        if n_pad - 1 < n_chunks:
            wait_write((n_pad - 1) % 2)

    return k(table_t, idx_flat)


def _fill_body(w_ref, o_ref):
    o_ref[...] = jnp.broadcast_to(w_ref[...], o_ref.shape)


def _rm_weights_tc(w_col, e_total):
    blk = 2560
    return pl.pallas_call(
        _fill_body,
        grid=(e_total // blk,),
        in_specs=[pl.BlockSpec((w_col.shape[0], 1), lambda i: (0, 0))],
        out_specs=pl.BlockSpec((w_col.shape[0], blk), lambda i: (0, i)),
        out_shape=jax.ShapeDtypeStruct((w_col.shape[0], e_total), jnp.float32),
    )(w_col)


def kernel(particles, weights, edges):
    n, p, d = particles.shape
    e_total = edges.shape[1]
    w = weights.shape[1]
    table_t = particles.transpose(1, 2, 0).reshape(p * d, n)
    idx_flat = edges.astype(jnp.int32).reshape(2 * e_total)
    out_t = _edge_diff_sc(table_t, idx_flat)
    ratios = out_t.reshape(p, d, e_total).transpose(2, 0, 1)
    w_col = weights[0, :].reshape(w, 1)
    rm_weights = _rm_weights_tc(w_col, e_total).transpose(1, 0)
    return ratios, rm_weights

# --- scband reference (transcript-rebuilt; emitter-appended) ---
"""Pipeline reference for scband-relative-measure-map-weights-979252543770 (READ-ONLY COPY).

The authoritative reference and input builder live on the scoring server;
editing this copy changes nothing except your own understanding.
"""

import jax, jax.numpy as jnp
import numpy as np

N_NODES = 10000
N_EDGES = 320000


def setup_inputs(seed: int = 0) -> dict:
    key = jax.random.key(seed)
    k1, k2, k3 = jax.random.split(key, 3)
    particles = jax.random.normal(k1, (N_NODES, 16, 8), dtype=jnp.float32)
    weights = jax.random.normal(k2, (N_NODES, 16), dtype=jnp.float32)
    edges = jax.random.randint(k3, (2, N_EDGES), 0, N_NODES, dtype=jnp.int64)
    return {"particles": particles, "weights": weights, "edges": edges}


def reference(particles, weights, edges):
    # Faithful translation of RelativeMeasureMapWeights.forward.
    # self.edges is an __init__-time buffer; here it is closed over as the
    # integer 'edges' input (constant w.r.t. autodiff).
    i = edges[0, :]
    j = edges[1, :]
    xi = jnp.take(particles, i, axis=0)  # gather: [E, P, D]
    xj = jnp.take(particles, j, axis=0)  # gather: [E, P, D]
    ratios = xi - xj
    N = xi.shape[0]
    # weights[0, :].unsqueeze(0).repeat(N, 1) -> tile row 0 across all edges
    RM_weights = jnp.tile(weights[0, :][None, :], (N, 1))  # [E, W]
    return (ratios, RM_weights)

if __name__ == "__main__":
    import jax
    _d = setup_inputs()
    print(jax.jit(kernel)(*tuple(_d.values())))

</pallas_src>

<mosaic_0001>
#map = affine_map<(d0, d1) -> (0, 0)>
#map1 = affine_map<(d0, d1) -> (0)>
module attributes {stable_mosaic.version = 14 : i64} {
  func.func @k(%arg0: i32, %arg1: i32, %arg2: memref<128x10000xf32, #tpu.memory_space<hbm>>, %arg3: memref<640000xi32, #tpu.memory_space<hbm>>, %arg4: memref<128x320000xf32, #tpu.memory_space<hbm>>, %arg5: memref<8x10000xf32, #tpu.memory_space<vmem>>, %arg6: memref<1280xi32, #tpu.memory_space<vmem>>, %arg7: memref<1280xi32, #tpu.memory_space<vmem>>, %arg8: memref<1280xi32, #tpu.memory_space<vmem>>, %arg9: memref<1280xi32, #tpu.memory_space<vmem>>, %arg10: memref<8x1280xf32, #tpu.memory_space<vmem>>, %arg11: memref<8x1280xf32, #tpu.memory_space<vmem>>, %arg12: memref<!tpu.dma_semaphore, #tpu.memory_space<semaphore_mem>>, %arg13: memref<!tpu.dma_semaphore, #tpu.memory_space<semaphore_mem>>, %arg14: memref<!tpu.dma_semaphore, #tpu.memory_space<semaphore_mem>>, %arg15: memref<!tpu.dma_semaphore, #tpu.memory_space<semaphore_mem>>, %arg16: memref<!tpu.dma_semaphore, #tpu.memory_space<semaphore_mem>>, %arg17: memref<!tpu.dma_semaphore, #tpu.memory_space<semaphore_mem>>) attributes {dimension_semantics = [#tpu.dimension_semantics<core_parallel>, #tpu.dimension_semantics<subcore_parallel>], iteration_bounds = array<i64: 2, 16>, scalar_prefetch = 0 : i64, scratch_operands = 13 : i64, tpu.core_type = #tpu.core_type<sc_vector_subcore>, window_params = [{transform_indices = #map}, {transform_indices = #map1}, {transform_indices = #map}]} {
    %mul3A = arith.constant 160000 : i32
    %mul3A_0 = arith.muli %arg0, %mul3A : i32
    %mul3A_1 = arith.constant 8 : i32
    %mul3A_2 = arith.muli %arg1, %mul3A_1 : i32
    "tpu.region"() ({
      %run_scoped3A = tpu.sem_alloc : memref<!tpu.dma_semaphore, #tpu.memory_space<semaphore_mem>>
      %dma_start3A_33 = arith.constant 0 : i32
      %dma_start3A_34 = tpu.memref_slice %arg2[%mul3A_2, %dma_start3A_33] : memref<128x10000xf32, #tpu.memory_space<hbm>> -> memref<8x10000xf32, #tpu.memory_space<hbm>>
      %dma_start3A_35 = arith.constant 0 : i32
      %dma_start3A_36 = tpu.memref_slice %arg2[%mul3A_2, %dma_start3A_35] : memref<128x10000xf32, #tpu.memory_space<hbm>> -> memref<8x10000xf32, #tpu.memory_space<hbm>>
      tpu.enqueue_dma source(%dma_start3A_36 : memref<8x10000xf32, #tpu.memory_space<hbm>>) target(%arg5 : memref<8x10000xf32, #tpu.memory_space<vmem>>) target_semaphore(%run_scoped3A : memref<!tpu.dma_semaphore, #tpu.memory_space<semaphore_mem>>)
      %dma_wait3A_37 = arith.constant 0 : i32
      %dma_wait3A_38 = tpu.memref_slice %arg2[%mul3A_2, %dma_wait3A_37] : memref<128x10000xf32, #tpu.memory_space<hbm>> -> memref<8x10000xf32, #tpu.memory_space<hbm>>
      %dma_wait3A_39 = arith.constant 0 : i32
      %dma_wait3A_40 = tpu.memref_slice %arg2[%mul3A_2, %dma_wait3A_39] : memref<128x10000xf32, #tpu.memory_space<hbm>> -> memref<8x10000xf32, #tpu.memory_space<hbm>>
      tpu.wait_dma2 semaphore(%run_scoped3A : memref<!tpu.dma_semaphore, #tpu.memory_space<semaphore_mem>>) src(%dma_wait3A_40 : memref<8x10000xf32, #tpu.memory_space<hbm>>) dst(%arg5 : memref<8x10000xf32, #tpu.memory_space<vmem>>)
      tpu.yield
    }) : () -> ()
    %broadcast_in_dim3A = arith.constant 0 : i32
    %broadcast_in_dim3A_3 = vector.broadcast %broadcast_in_dim3A : i32 to vector<16xi32>
    %broadcast_in_dim3A_4 = arith.constant 1 : i32
    %broadcast_in_dim3A_5 = vector.broadcast %broadcast_in_dim3A_4 : i32 to vector<16xi32>
    %broadcast_in_dim3A_6 = arith.constant 2 : i32
    %broadcast_in_dim3A_7 = vector.broadcast %broadcast_in_dim3A_6 : i32 to vector<16xi32>
    %broadcast_in_dim3A_8 = arith.constant 3 : i32
    %broadcast_in_dim3A_9 = vector.broadcast %broadcast_in_dim3A_8 : i32 to vector<16xi32>
    %broadcast_in_dim3A_10 = arith.constant 4 : i32
    %broadcast_in_dim3A_11 = vector.broadcast %broadcast_in_dim3A_10 : i32 to vector<16xi32>
    %broadcast_in_dim3A_12 = arith.constant 5 : i32
    %broadcast_in_dim3A_13 = vector.broadcast %broadcast_in_dim3A_12 : i32 to vector<16xi32>
    %broadcast_in_dim3A_14 = arith.constant 6 : i32
    %broadcast_in_dim3A_15 = vector.broadcast %broadcast_in_dim3A_14 : i32 to vector<16xi32>
    %broadcast_in_dim3A_16 = arith.constant 7 : i32
    %broadcast_in_dim3A_17 = vector.broadcast %broadcast_in_dim3A_16 : i32 to vector<16xi32>
    %add3A = arith.constant 0 : i32
    %add3A_18 = arith.addi %mul3A_0, %add3A : i32
    %dma_start3A = tpu.memref_slice %arg3[%add3A_18] : memref<640000xi32, #tpu.memory_space<hbm>> -> memref<1280xi32, #tpu.memory_space<hbm>>
    %dma_start3A_19 = tpu.memref_slice %arg3[%add3A_18] : memref<640000xi32, #tpu.memory_space<hbm>> -> memref<1280xi32, #tpu.memory_space<hbm>>
    tpu.enqueue_dma source(%dma_start3A_19 : memref<1280xi32, #tpu.memory_space<hbm>>) target(%arg6 : memref<1280xi32, #tpu.memory_space<vmem>>) target_semaphore(%arg12 : memref<!tpu.dma_semaphore, #tpu.memory_space<semaphore_mem>>)
    %add3A_20 = arith.constant 320000 : i32
    %add3A_21 = arith.addi %add3A_20, %add3A_18 : i32
    %dma_start3A_22 = tpu.memref_slice %arg3[%add3A_21] : memref<640000xi32, #tpu.memory_space<hbm>> -> memref<1280xi32, #tpu.memory_space<hbm>>
    %dma_start3A_23 = tpu.memref_slice %arg3[%add3A_21] : memref<640000xi32, #tpu.memory_space<hbm>> -> memref<1280xi32, #tpu.memory_space<hbm>>
    tpu.enqueue_dma source(%dma_start3A_23 : memref<1280xi32, #tpu.memory_space<hbm>>) target(%arg8 : memref<1280xi32, #tpu.memory_space<vmem>>) target_semaphore(%arg14 : memref<!tpu.dma_semaphore, #tpu.memory_space<semaphore_mem>>)
    %scan3A = arith.constant 0 : i32
    %scan3A_24 = arith.constant 63 : i32
    %scan3A_25 = arith.addi %scan3A, %scan3A_24 : i32
    %scan3A_26 = arith.constant 1 : i32
    scf.for %scan3A_33 = %scan3A to %scan3A_25 step %scan3A_26  : i32 {
      %mul3A_34 = arith.constant 1 : i32
      %mul3A_35 = arith.muli %scan3A_33, %mul3A_34 : i32
      %add3A_36 = arith.constant 0 : i32
      %add3A_37 = arith.addi %add3A_36, %mul3A_35 : i32
      %mul3A_38 = arith.constant 2 : i32
      %mul3A_39 = arith.muli %add3A_37, %mul3A_38 : i32
      %add3A_40 = arith.constant 0 : i32
      %add3A_41 = arith.addi %mul3A_39, %add3A_40 : i32
      %add3A_42 = arith.constant 1 : i32
      %add3A_43 = arith.addi %add3A_41, %add3A_42 : i32
      %lt3A = arith.constant 125 : i32
      %lt3A_44 = arith.cmpi slt, %add3A_43, %lt3A : i32
      %convert_element_type3A = arith.extui %lt3A_44 : i1 to i32
      %cond3A = arith.constant 0 : i32
      %cond3A_45 = arith.cmpi ne, %convert_element_type3A, %cond3A : i32
      scf.if %cond3A_45 {
        %add3A_84 = arith.constant 1 : i32
        %add3A_85 = arith.addi %add3A_41, %add3A_84 : i32
        %mul3A_86 = arith.constant 1280 : i32
        %mul3A_87 = arith.muli %add3A_85, %mul3A_86 : i32
        %add3A_88 = arith.addi %mul3A_0, %mul3A_87 : i32
        %dma_start3A_89 = tpu.memref_slice %arg3[%add3A_88] : memref<640000xi32, #tpu.memory_space<hbm>> -> memref<1280xi32, #tpu.memory_space<hbm>>
        %dma_start3A_90 = tpu.memref_slice %arg3[%add3A_88] : memref<640000xi32, #tpu.memory_space<hbm>> -> memref<1280xi32, #tpu.memory_space<hbm>>
        tpu.enqueue_dma source(%dma_start3A_90 : memref<1280xi32, #tpu.memory_space<hbm>>) target(%arg7 : memref<1280xi32, #tpu.memory_space<vmem>>) target_semaphore(%arg13 : memref<!tpu.dma_semaphore, #tpu.memory_space<semaphore_mem>>)
        %add3A_91 = arith.constant 320000 : i32
        %add3A_92 = arith.addi %add3A_91, %add3A_88 : i32
        %dma_start3A_93 = tpu.memref_slice %arg3[%add3A_92] : memref<640000xi32, #tpu.memory_space<hbm>> -> memref<1280xi32, #tpu.memory_space<hbm>>
        %dma_start3A_94 = tpu.memref_slice %arg3[%add3A_92] : memref<640000xi32, #tpu.memory_space<hbm>> -> memref<1280xi32, #tpu.memory_space<hbm>>
        tpu.enqueue_dma source(%dma_start3A_94 : memref<1280xi32, #tpu.memory_space<hbm>>) target(%arg9 : memref<1280xi32, #tpu.memory_space<vmem>>) target_semaphore(%arg15 : memref<!tpu.dma_semaphore, #tpu.memory_space<semaphore_mem>>)
      } else {
      }
      %ge3A = arith.constant 2 : i32
      %ge3A_46 = arith.cmpi sge, %add3A_41, %ge3A : i32
      %sub3A = arith.constant 2 : i32
      %sub3A_47 = arith.subi %add3A_41, %sub3A : i32
      %lt3A_48 = arith.constant 125 : i32
      %lt3A_49 = arith.cmpi slt, %sub3A_47, %lt3A_48 : i32
      %and3A = arith.andi %ge3A_46, %lt3A_49 : i1
      %convert_element_type3A_50 = arith.extui %and3A : i1 to i32
      %cond3A_51 = arith.constant 0 : i32
      %cond3A_52 = arith.cmpi ne, %convert_element_type3A_50, %cond3A_51 : i32
      scf.if %cond3A_52 {
        %dma_wait3A_84 = arith.constant 0 : i32
        %dma_wait3A_85 = arith.constant 0 : i32
        %dma_wait3A_86 = tpu.memref_slice %arg4[%dma_wait3A_84, %dma_wait3A_85] : memref<128x320000xf32, #tpu.memory_space<hbm>> -> memref<8x1280xf32, #tpu.memory_space<hbm>>
        %dma_wait3A_87 = arith.constant 0 : i32
        %dma_wait3A_88 = arith.constant 0 : i32
        %dma_wait3A_89 = tpu.memref_slice %arg4[%dma_wait3A_87, %dma_wait3A_88] : memref<128x320000xf32, #tpu.memory_space<hbm>> -> memref<8x1280xf32, #tpu.memory_space<hbm>>
        tpu.wait_dma2 semaphore(%arg16 : memref<!tpu.dma_semaphore, #tpu.memory_space<semaphore_mem>>) src(%arg10 : memref<8x1280xf32, #tpu.memory_space<vmem>>) dst(%dma_wait3A_89 : memref<8x1280xf32, #tpu.memory_space<hbm>>)
      } else {
      }
      %lt3A_53 = arith.constant 125 : i32
      %lt3A_54 = arith.cmpi slt, %add3A_41, %lt3A_53 : i32
      %convert_element_type3A_55 = arith.extui %lt3A_54 : i1 to i32
      %cond3A_56 = arith.constant 0 : i32
      %cond3A_57 = arith.cmpi ne, %convert_element_type3A_55, %cond3A_56 : i32
      scf.if %cond3A_57 {
        %dma_wait3A_84 = arith.constant 0 : i32
        %dma_wait3A_85 = tpu.memref_slice %arg3[%dma_wait3A_84] : memref<640000xi32, #tpu.memory_space<hbm>> -> memref<1280xi32, #tpu.memory_space<hbm>>
        %dma_wait3A_86 = arith.constant 0 : i32
        %dma_wait3A_87 = tpu.memref_slice %arg3[%dma_wait3A_86] : memref<640000xi32, #tpu.memory_space<hbm>> -> memref<1280xi32, #tpu.memory_space<hbm>>
        tpu.wait_dma2 semaphore(%arg12 : memref<!tpu.dma_semaphore, #tpu.memory_space<semaphore_mem>>) src(%dma_wait3A_87 : memref<1280xi32, #tpu.memory_space<hbm>>) dst(%arg6 : memref<1280xi32, #tpu.memory_space<vmem>>)
        %dma_wait3A_88 = arith.constant 0 : i32
        %dma_wait3A_89 = tpu.memref_slice %arg3[%dma_wait3A_88] : memref<640000xi32, #tpu.memory_space<hbm>> -> memref<1280xi32, #tpu.memory_space<hbm>>
        %dma_wait3A_90 = arith.constant 0 : i32
        %dma_wait3A_91 = tpu.memref_slice %arg3[%dma_wait3A_90] : memref<640000xi32, #tpu.memory_space<hbm>> -> memref<1280xi32, #tpu.memory_space<hbm>>
        tpu.wait_dma2 semaphore(%arg14 : memref<!tpu.dma_semaphore, #tpu.memory_space<semaphore_mem>>) src(%dma_wait3A_91 : memref<1280xi32, #tpu.memory_space<hbm>>) dst(%arg8 : memref<1280xi32, #tpu.memory_space<vmem>>)
        %parallel_loop3A = arith.constant 0 : i32
        %parallel_loop3A_92 = arith.constant 80 : i32
        %parallel_loop3A_93 = arith.constant 1 : i32
        scf.for %parallel_loop3A_99 = %parallel_loop3A to %parallel_loop3A_92 step %parallel_loop3A_93  : i32 {
          %parallel_loop3A_100 = arith.constant 16 : i32
          %parallel_loop3A_101 = arith.muli %parallel_loop3A_99, %parallel_loop3A_100 : i32
          %parallel_loop3A_102 = arith.index_cast %parallel_loop3A_101 : i32 to index
          %parallel_loop3A_103 = tpu.vector_load %arg6[%parallel_loop3A_102] {strides = array<i32>} : memref<1280xi32, #tpu.memory_space<vmem>>, vector<16xi32>,
          %parallel_loop3A_104 = arith.index_cast %parallel_loop3A_101 : i32 to index
          %parallel_loop3A_105 = tpu.vector_load %arg8[%parallel_loop3A_104] {strides = array<i32>} : memref<1280xi32, #tpu.memory_space<vmem>>, vector<16xi32>,
          %parallel_loop3A_106 = tpu.vector_load_idx %arg5[%broadcast_in_dim3A_3, %parallel_loop3A_103] : memref<8x10000xf32, #tpu.memory_space<vmem>>[vector<16xi32>, vector<16xi32>], vector<16xf32>,
          %parallel_loop3A_107 = tpu.vector_load_idx %arg5[%broadcast_in_dim3A_3, %parallel_loop3A_105] : memref<8x10000xf32, #tpu.memory_space<vmem>>[vector<16xi32>, vector<16xi32>], vector<16xf32>,
          %parallel_loop3A_108 = arith.subf %parallel_loop3A_106, %parallel_loop3A_107 : vector<16xf32>
          %parallel_loop3A_109 = arith.constant 0 : i32
          %parallel_loop3A_110 = arith.index_cast %parallel_loop3A_109 : i32 to index
          %parallel_loop3A_111 = arith.index_cast %parallel_loop3A_101 : i32 to index
          %parallel_loop3A_112 = tpu.vector_load %arg10[%parallel_loop3A_110, %parallel_loop3A_111] {strides = array<i32>} : memref<8x1280xf32, #tpu.memory_space<vmem>>, vector<16xf32>,
          tpu.vector_store %arg10[%parallel_loop3A_110, %parallel_loop3A_111], %parallel_loop3A_108 {strides = array<i32>} : memref<8x1280xf32, #tpu.memory_space<vmem>>, vector<16xf32>,
          %parallel_loop3A_113 = tpu.vector_load_idx %arg5[%broadcast_in_dim3A_5, %parallel_loop3A_103] : memref<8x10000xf32, #tpu.memory_space<vmem>>[vector<16xi32>, vector<16xi32>], vector<16xf32>,
          %parallel_loop3A_114 = tpu.vector_load_idx %arg5[%broadcast_in_dim3A_5, %parallel_loop3A_105] : memref<8x10000xf32, #tpu.memory_space<vmem>>[vector<16xi32>, vector<16xi32>], vector<16xf32>,
          %parallel_loop3A_115 = arith.subf %parallel_loop3A_113, %parallel_loop3A_114 : vector<16xf32>
          %parallel_loop3A_116 = arith.constant 1 : i32
          %parallel_loop3A_117 = arith.index_cast %parallel_loop3A_116 : i32 to index
          %parallel_loop3A_118 = arith.index_cast %parallel_loop3A_101 : i32 to index
          %parallel_loop3A_119 = tpu.vector_load %arg10[%parallel_loop3A_117, %parallel_loop3A_118] {strides = array<i32>} : memref<8x1280xf32, #tpu.memory_space<vmem>>, vector<16xf32>,
          tpu.vector_store %arg10[%parallel_loop3A_117, %parallel_loop3A_118], %parallel_loop3A_115 {strides = array<i32>} : memref<8x1280xf32, #tpu.memory_space<vmem>>, vector<16xf32>,
          %parallel_loop3A_120 = tpu.vector_load_idx %arg5[%broadcast_in_dim3A_7, %parallel_loop3A_103] : memref<8x10000xf32, #tpu.memory_space<vmem>>[vector<16xi32>, vector<16xi32>], vector<16xf32>,
          %parallel_loop3A_121 = tpu.vector_load_idx %arg5[%broadcast_in_dim3A_7, %parallel_loop3A_105] : memref<8x10000xf32, #tpu.memory_space<vmem>>[vector<16xi32>, vector<16xi32>], vector<16xf32>,
          %parallel_loop3A_122 = arith.subf %parallel_loop3A_120, %parallel_loop3A_121 : vector<16xf32>
          %parallel_loop3A_123 = arith.constant 2 : i32
          %parallel_loop3A_124 = arith.index_cast %parallel_loop3A_123 : i32 to index
          %parallel_loop3A_125 = arith.index_cast %parallel_loop3A_101 : i32 to index
          %parallel_loop3A_126 = tpu.vector_load %arg10[%parallel_loop3A_124, %parallel_loop3A_125] {strides = array<i32>} : memref<8x1280xf32, #tpu.memory_space<vmem>>, vector<16xf32>,
          tpu.vector_store %arg10[%parallel_loop3A_124, %parallel_loop3A_125], %parallel_loop3A_122 {strides = array<i32>} : memref<8x1280xf32, #tpu.memory_space<vmem>>, vector<16xf32>,
          %parallel_loop3A_127 = tpu.vector_load_idx %arg5[%broadcast_in_dim3A_9, %parallel_loop3A_103] : memref<8x10000xf32, #tpu.memory_space<vmem>>[vector<16xi32>, vector<16xi32>], vector<16xf32>,
          %parallel_loop3A_128 = tpu.vector_load_idx %arg5[%broadcast_in_dim3A_9, %parallel_loop3A_105] : memref<8x10000xf32, #tpu.memory_space<vmem>>[vector<16xi32>, vector<16xi32>], vector<16xf32>,
          %parallel_loop3A_129 = arith.subf %parallel_loop3A_127, %parallel_loop3A_128 : vector<16xf32>
          %parallel_loop3A_130 = arith.constant 3 : i32
          %parallel_loop3A_131 = arith.index_cast %parallel_loop3A_130 : i32 to index
          %parallel_loop3A_132 = arith.index_cast %parallel_loop3A_101 : i32 to index
          %parallel_loop3A_133 = tpu.vector_load %arg10[%parallel_loop3A_131, %parallel_loop3A_132] {strides = array<i32>} : memref<8x1280xf32, #tpu.memory_space<vmem>>, vector<16xf32>,
          tpu.vector_store %arg10[%parallel_loop3A_131, %parallel_loop3A_132], %parallel_loop3A_129 {strides = array<i32>} : memref<8x1280xf32, #tpu.memory_space<vmem>>, vector<16xf32>,
          %parallel_loop3A_134 = tpu.vector_load_idx %arg5[%broadcast_in_dim3A_11, %parallel_loop3A_103] : memref<8x10000xf32, #tpu.memory_space<vmem>>[vector<16xi32>, vector<16xi32>], vector<16xf32>,
          %parallel_loop3A_135 = tpu.vector_load_idx %arg5[%broadcast_in_dim3A_11, %parallel_loop3A_105] : memref<8x10000xf32, #tpu.memory_space<vmem>>[vector<16xi32>, vector<16xi32>], vector<16xf32>,
          %parallel_loop3A_136 = arith.subf %parallel_loop3A_134, %parallel_loop3A_135 : vector<16xf32>
          %parallel_loop3A_137 = arith.constant 4 : i32
          %parallel_loop3A_138 = arith.index_cast %parallel_loop3A_137 : i32 to index
          %parallel_loop3A_139 = arith.index_cast %parallel_loop3A_101 : i32 to index
          %parallel_loop3A_140 = tpu.vector_load %arg10[%parallel_loop3A_138, %parallel_loop3A_139] {strides = array<i32>} : memref<8x1280xf32, #tpu.memory_space<vmem>>, vector<16xf32>,
          tpu.vector_store %arg10[%parallel_loop3A_138, %parallel_loop3A_139], %parallel_loop3A_136 {strides = array<i32>} : memref<8x1280xf32, #tpu.memory_space<vmem>>, vector<16xf32>,
          %parallel_loop3A_141 = tpu.vector_load_idx %arg5[%broadcast_in_dim3A_13, %parallel_loop3A_103] : memref<8x10000xf32, #tpu.memory_space<vmem>>[vector<16xi32>, vector<16xi32>], vector<16xf32>,
          %parallel_loop3A_142 = tpu.vector_load_idx %arg5[%broadcast_in_dim3A_13, %parallel_loop3A_105] : memref<8x10000xf32, #tpu.memory_space<vmem>>[vector<16xi32>, vector<16xi32>], vector<16xf32>,
          %parallel_loop3A_143 = arith.subf %parallel_loop3A_141, %parallel_loop3A_142 : vector<16xf32>
          %parallel_loop3A_144 = arith.constant 5 : i32
          %parallel_loop3A_145 = arith.index_cast %parallel_loop3A_144 : i32 to index
          %parallel_loop3A_146 = arith.index_cast %parallel_loop3A_101 : i32 to index
          %parallel_loop3A_147 = tpu.vector_load %arg10[%parallel_loop3A_145, %parallel_loop3A_146] {strides = array<i32>} : memref<8x1280xf32, #tpu.memory_space<vmem>>, vector<16xf32>,
          tpu.vector_store %arg10[%parallel_loop3A_145, %parallel_loop3A_146], %parallel_loop3A_143 {strides = array<i32>} : memref<8x1280xf32, #tpu.memory_space<vmem>>, vector<16xf32>,
          %parallel_loop3A_148 = tpu.vector_load_idx %arg5[%broadcast_in_dim3A_15, %parallel_loop3A_103] : memref<8x10000xf32, #tpu.memory_space<vmem>>[vector<16xi32>, vector<16xi32>], vector<16xf32>,
          %parallel_loop3A_149 = tpu.vector_load_idx %arg5[%broadcast_in_dim3A_15, %parallel_loop3A_105] : memref<8x10000xf32, #tpu.memory_space<vmem>>[vector<16xi32>, vector<16xi32>], vector<16xf32>,
          %parallel_loop3A_150 = arith.subf %parallel_loop3A_148, %parallel_loop3A_149 : vector<16xf32>
          %parallel_loop3A_151 = arith.constant 6 : i32
          %parallel_loop3A_152 = arith.index_cast %parallel_loop3A_151 : i32 to index
          %parallel_loop3A_153 = arith.index_cast %parallel_loop3A_101 : i32 to index
          %parallel_loop3A_154 = tpu.vector_load %arg10[%parallel_loop3A_152, %parallel_loop3A_153] {strides = array<i32>} : memref<8x1280xf32, #tpu.memory_space<vmem>>, vector<16xf32>,
          tpu.vector_store %arg10[%parallel_loop3A_152, %parallel_loop3A_153], %parallel_loop3A_150 {strides = array<i32>} : memref<8x1280xf32, #tpu.memory_space<vmem>>, vector<16xf32>,
          %parallel_loop3A_155 = tpu.vector_load_idx %arg5[%broadcast_in_dim3A_17, %parallel_loop3A_103] : memref<8x10000xf32, #tpu.memory_space<vmem>>[vector<16xi32>, vector<16xi32>], vector<16xf32>,
          %parallel_loop3A_156 = tpu.vector_load_idx %arg5[%broadcast_in_dim3A_17, %parallel_loop3A_105] : memref<8x10000xf32, #tpu.memory_space<vmem>>[vector<16xi32>, vector<16xi32>], vector<16xf32>,
          %parallel_loop3A_157 = arith.subf %parallel_loop3A_155, %parallel_loop3A_156 : vector<16xf32>
          %parallel_loop3A_158 = arith.constant 7 : i32
          %parallel_loop3A_159 = arith.index_cast %parallel_loop3A_158 : i32 to index
          %parallel_loop3A_160 = arith.index_cast %parallel_loop3A_101 : i32 to index
          %parallel_loop3A_161 = tpu.vector_load %arg10[%parallel_loop3A_159, %parallel_loop3A_160] {strides = array<i32>} : memref<8x1280xf32, #tpu.memory_space<vmem>>, vector<16xf32>,
          tpu.vector_store %arg10[%parallel_loop3A_159, %parallel_loop3A_160], %parallel_loop3A_157 {strides = array<i32>} : memref<8x1280xf32, #tpu.memory_space<vmem>>, vector<16xf32>,
        } {sc.loop_unroll_factor = 4 : i64, sc.parallel_access}
        %mul3A_94 = arith.constant 1280 : i32
        %mul3A_95 = arith.muli %add3A_41, %mul3A_94 : i32
        %add3A_96 = arith.addi %mul3A_0, %mul3A_95 : i32
        %dma_start3A_97 = tpu.memref_slice %arg4[%mul3A_2, %add3A_96] : memref<128x320000xf32, #tpu.memory_space<hbm>> -> memref<8x1280xf32, #tpu.memory_space<hbm>>
        %dma_start3A_98 = tpu.memref_slice %arg4[%mul3A_2, %add3A_96] : memref<128x320000xf32, #tpu.memory_space<hbm>> -> memref<8x1280xf32, #tpu.memory_space<hbm>>
        tpu.enqueue_dma source(%arg10 : memref<8x1280xf32, #tpu.memory_space<vmem>>) target(%dma_start3A_98 : memref<8x1280xf32, #tpu.memory_space<hbm>>) target_semaphore(%arg16 : memref<!tpu.dma_semaphore, #tpu.memory_space<semaphore_mem>>)
      } else {
      }
      %mul3A_58 = arith.constant 2 : i32
      %mul3A_59 = arith.muli %add3A_37, %mul3A_58 : i32
      %add3A_60 = arith.constant 1 : i32
      %add3A_61 = arith.addi %mul3A_59, %add3A_60 : i32
      %add3A_62 = arith.constant 1 : i32
      %add3A_63 = arith.addi %add3A_61, %add3A_62 : i32
      %lt3A_64 = arith.constant 125 : i32
      %lt3A_65 = arith.cmpi slt, %add3A_63, %lt3A_64 : i32
      %convert_element_type3A_66 = arith.extui %lt3A_65 : i1 to i32
      %cond3A_67 = arith.constant 0 : i32
      %cond3A_68 = arith.cmpi ne, %convert_element_type3A_66, %cond3A_67 : i32
      scf.if %cond3A_68 {
        %add3A_84 = arith.constant 1 : i32
        %add3A_85 = arith.addi %add3A_61, %add3A_84 : i32
        %mul3A_86 = arith.constant 1280 : i32
        %mul3A_87 = arith.muli %add3A_85, %mul3A_86 : i32
        %add3A_88 = arith.addi %mul3A_0, %mul3A_87 : i32
        %dma_start3A_89 = tpu.memref_slice %arg3[%add3A_88] : memref<640000xi32, #tpu.memory_space<hbm>> -> memref<1280xi32, #tpu.memory_space<hbm>>
        %dma_start3A_90 = tpu.memref_slice %arg3[%add3A_88] : memref<640000xi32, #tpu.memory_space<hbm>> -> memref<1280xi32, #tpu.memory_space<hbm>>
        tpu.enqueue_dma source(%dma_start3A_90 : memref<1280xi32, #tpu.memory_space<hbm>>) target(%arg6 : memref<1280xi32, #tpu.memory_space<vmem>>) target_semaphore(%arg12 : memref<!tpu.dma_semaphore, #tpu.memory_space<semaphore_mem>>)
        %add3A_91 = arith.constant 320000 : i32
        %add3A_92 = arith.addi %add3A_91, %add3A_88 : i32
        %dma_start3A_93 = tpu.memref_slice %arg3[%add3A_92] : memref<640000xi32, #tpu.memory_space<hbm>> -> memref<1280xi32, #tpu.memory_space<hbm>>
        %dma_start3A_94 = tpu.memref_slice %arg3[%add3A_92] : memref<640000xi32, #tpu.memory_space<hbm>> -> memref<1280xi32, #tpu.memory_space<hbm>>
        tpu.enqueue_dma source(%dma_start3A_94 : memref<1280xi32, #tpu.memory_space<hbm>>) target(%arg8 : memref<1280xi32, #tpu.memory_space<vmem>>) target_semaphore(%arg14 : memref<!tpu.dma_semaphore, #tpu.memory_space<semaphore_mem>>)
      } else {
      }
      %ge3A_69 = arith.constant 2 : i32
      %ge3A_70 = arith.cmpi sge, %add3A_61, %ge3A_69 : i32
      %sub3A_71 = arith.constant 2 : i32
      %sub3A_72 = arith.subi %add3A_61, %sub3A_71 : i32
      %lt3A_73 = arith.constant 125 : i32
      %lt3A_74 = arith.cmpi slt, %sub3A_72, %lt3A_73 : i32
      %and3A_75 = arith.andi %ge3A_70, %lt3A_74 : i1
      %convert_element_type3A_76 = arith.extui %and3A_75 : i1 to i32
      %cond3A_77 = arith.constant 0 : i32
      %cond3A_78 = arith.cmpi ne, %convert_element_type3A_76, %cond3A_77 : i32
      scf.if %cond3A_78 {
        %dma_wait3A_84 = arith.constant 0 : i32
        %dma_wait3A_85 = arith.constant 0 : i32
        %dma_wait3A_86 = tpu.memref_slice %arg4[%dma_wait3A_84, %dma_wait3A_85] : memref<128x320000xf32, #tpu.memory_space<hbm>> -> memref<8x1280xf32, #tpu.memory_space<hbm>>
        %dma_wait3A_87 = arith.constant 0 : i32
        %dma_wait3A_88 = arith.constant 0 : i32
        %dma_wait3A_89 = tpu.memref_slice %arg4[%dma_wait3A_87, %dma_wait3A_88] : memref<128x320000xf32, #tpu.memory_space<hbm>> -> memref<8x1280xf32, #tpu.memory_space<hbm>>
        tpu.wait_dma2 semaphore(%arg17 : memref<!tpu.dma_semaphore, #tpu.memory_space<semaphore_mem>>) src(%arg11 : memref<8x1280xf32, #tpu.memory_space<vmem>>) dst(%dma_wait3A_89 : memref<8x1280xf32, #tpu.memory_space<hbm>>)
      } else {
      }
      %lt3A_79 = arith.constant 125 : i32
      %lt3A_80 = arith.cmpi slt, %add3A_61, %lt3A_79 : i32
      %convert_element_type3A_81 = arith.extui %lt3A_80 : i1 to i32
      %cond3A_82 = arith.constant 0 : i32
      %cond3A_83 = arith.cmpi ne, %convert_element_type3A_81, %cond3A_82 : i32
      scf.if %cond3A_83 {
        %dma_wait3A_84 = arith.constant 0 : i32
        %dma_wait3A_85 = tpu.memref_slice %arg3[%dma_wait3A_84] : memref<640000xi32, #tpu.memory_space<hbm>> -> memref<1280xi32, #tpu.memory_space<hbm>>
        %dma_wait3A_86 = arith.constant 0 : i32
        %dma_wait3A_87 = tpu.memref_slice %arg3[%dma_wait3A_86] : memref<640000xi32, #tpu.memory_space<hbm>> -> memref<1280xi32, #tpu.memory_space<hbm>>
        tpu.wait_dma2 semaphore(%arg13 : memref<!tpu.dma_semaphore, #tpu.memory_space<semaphore_mem>>) src(%dma_wait3A_87 : memref<1280xi32, #tpu.memory_space<hbm>>) dst(%arg7 : memref<1280xi32, #tpu.memory_space<vmem>>)
        %dma_wait3A_88 = arith.constant 0 : i32
        %dma_wait3A_89 = tpu.memref_slice %arg3[%dma_wait3A_88] : memref<640000xi32, #tpu.memory_space<hbm>> -> memref<1280xi32, #tpu.memory_space<hbm>>
        %dma_wait3A_90 = arith.constant 0 : i32
        %dma_wait3A_91 = tpu.memref_slice %arg3[%dma_wait3A_90] : memref<640000xi32, #tpu.memory_space<hbm>> -> memref<1280xi32, #tpu.memory_space<hbm>>
        tpu.wait_dma2 semaphore(%arg15 : memref<!tpu.dma_semaphore, #tpu.memory_space<semaphore_mem>>) src(%dma_wait3A_91 : memref<1280xi32, #tpu.memory_space<hbm>>) dst(%arg9 : memref<1280xi32, #tpu.memory_space<vmem>>)
        %parallel_loop3A = arith.constant 0 : i32
        %parallel_loop3A_92 = arith.constant 80 : i32
        %parallel_loop3A_93 = arith.constant 1 : i32
        scf.for %parallel_loop3A_99 = %parallel_loop3A to %parallel_loop3A_92 step %parallel_loop3A_93  : i32 {
          %parallel_loop3A_100 = arith.constant 16 : i32
          %parallel_loop3A_101 = arith.muli %parallel_loop3A_99, %parallel_loop3A_100 : i32
          %parallel_loop3A_102 = arith.index_cast %parallel_loop3A_101 : i32 to index
          %parallel_loop3A_103 = tpu.vector_load %arg7[%parallel_loop3A_102] {strides = array<i32>} : memref<1280xi32, #tpu.memory_space<vmem>>, vector<16xi32>,
          %parallel_loop3A_104 = arith.index_cast %parallel_loop3A_101 : i32 to index
          %parallel_loop3A_105 = tpu.vector_load %arg9[%parallel_loop3A_104] {strides = array<i32>} : memref<1280xi32, #tpu.memory_space<vmem>>, vector<16xi32>,
          %parallel_loop3A_106 = tpu.vector_load_idx %arg5[%broadcast_in_dim3A_3, %parallel_loop3A_103] : memref<8x10000xf32, #tpu.memory_space<vmem>>[vector<16xi32>, vector<16xi32>], vector<16xf32>,
          %parallel_loop3A_107 = tpu.vector_load_idx %arg5[%broadcast_in_dim3A_3, %parallel_loop3A_105] : memref<8x10000xf32, #tpu.memory_space<vmem>>[vector<16xi32>, vector<16xi32>], vector<16xf32>,
          %parallel_loop3A_108 = arith.subf %parallel_loop3A_106, %parallel_loop3A_107 : vector<16xf32>
          %parallel_loop3A_109 = arith.constant 0 : i32
          %parallel_loop3A_110 = arith.index_cast %parallel_loop3A_109 : i32 to index
          %parallel_loop3A_111 = arith.index_cast %parallel_loop3A_101 : i32 to index
          %parallel_loop3A_112 = tpu.vector_load %arg11[%parallel_loop3A_110, %parallel_loop3A_111] {strides = array<i32>} : memref<8x1280xf32, #tpu.memory_space<vmem>>, vector<16xf32>,
          tpu.vector_store %arg11[%parallel_loop3A_110, %parallel_loop3A_111], %parallel_loop3A_108 {strides = array<i32>} : memref<8x1280xf32, #tpu.memory_space<vmem>>, vector<16xf32>,
          %parallel_loop3A_113 = tpu.vector_load_idx %arg5[%broadcast_in_dim3A_5, %parallel_loop3A_103] : memref<8x10000xf32, #tpu.memory_space<vmem>>[vector<16xi32>, vector<16xi32>], vector<16xf32>,
          %parallel_loop3A_114 = tpu.vector_load_idx %arg5[%broadcast_in_dim3A_5, %parallel_loop3A_105] : memref<8x10000xf32, #tpu.memory_space<vmem>>[vector<16xi32>, vector<16xi32>], vector<16xf32>,
          %parallel_loop3A_115 = arith.subf %parallel_loop3A_113, %parallel_loop3A_114 : vector<16xf32>
          %parallel_loop3A_116 = arith.constant 1 : i32
          %parallel_loop3A_117 = arith.index_cast %parallel_loop3A_116 : i32 to index
          %parallel_loop3A_118 = arith.index_cast %parallel_loop3A_101 : i32 to index
          %parallel_loop3A_119 = tpu.vector_load %arg11[%parallel_loop3A_117, %parallel_loop3A_118] {strides = array<i32>} : memref<8x1280xf32, #tpu.memory_space<vmem>>, vector<16xf32>,
          tpu.vector_store %arg11[%parallel_loop3A_117, %parallel_loop3A_118], %parallel_loop3A_115 {strides = array<i32>} : memref<8x1280xf32, #tpu.memory_space<vmem>>, vector<16xf32>,
          %parallel_loop3A_120 = tpu.vector_load_idx %arg5[%broadcast_in_dim3A_7, %parallel_loop3A_103] : memref<8x10000xf32, #tpu.memory_space<vmem>>[vector<16xi32>, vector<16xi32>], vector<16xf32>,
          %parallel_loop3A_121 = tpu.vector_load_idx %arg5[%broadcast_in_dim3A_7, %parallel_loop3A_105] : memref<8x10000xf32, #tpu.memory_space<vmem>>[vector<16xi32>, vector<16xi32>], vector<16xf32>,
          %parallel_loop3A_122 = arith.subf %parallel_loop3A_120, %parallel_loop3A_121 : vector<16xf32>
          %parallel_loop3A_123 = arith.constant 2 : i32
          %parallel_loop3A_124 = arith.index_cast %parallel_loop3A_123 : i32 to index
          %parallel_loop3A_125 = arith.index_cast %parallel_loop3A_101 : i32 to index
          %parallel_loop3A_126 = tpu.vector_load %arg11[%parallel_loop3A_124, %parallel_loop3A_125] {strides = array<i32>} : memref<8x1280xf32, #tpu.memory_space<vmem>>, vector<16xf32>,
          tpu.vector_store %arg11[%parallel_loop3A_124, %parallel_loop3A_125], %parallel_loop3A_122 {strides = array<i32>} : memref<8x1280xf32, #tpu.memory_space<vmem>>, vector<16xf32>,
          %parallel_loop3A_127 = tpu.vector_load_idx %arg5[%broadcast_in_dim3A_9, %parallel_loop3A_103] : memref<8x10000xf32, #tpu.memory_space<vmem>>[vector<16xi32>, vector<16xi32>], vector<16xf32>,
          %parallel_loop3A_128 = tpu.vector_load_idx %arg5[%broadcast_in_dim3A_9, %parallel_loop3A_105] : memref<8x10000xf32, #tpu.memory_space<vmem>>[vector<16xi32>, vector<16xi32>], vector<16xf32>,
          %parallel_loop3A_129 = arith.subf %parallel_loop3A_127, %parallel_loop3A_128 : vector<16xf32>
          %parallel_loop3A_130 = arith.constant 3 : i32
          %parallel_loop3A_131 = arith.index_cast %parallel_loop3A_130 : i32 to index
          %parallel_loop3A_132 = arith.index_cast %parallel_loop3A_101 : i32 to index
          %parallel_loop3A_133 = tpu.vector_load %arg11[%parallel_loop3A_131, %parallel_loop3A_132] {strides = array<i32>} : memref<8x1280xf32, #tpu.memory_space<vmem>>, vector<16xf32>,
          tpu.vector_store %arg11[%parallel_loop3A_131, %parallel_loop3A_132], %parallel_loop3A_129 {strides = array<i32>} : memref<8x1280xf32, #tpu.memory_space<vmem>>, vector<16xf32>,
          %parallel_loop3A_134 = tpu.vector_load_idx %arg5[%broadcast_in_dim3A_11, %parallel_loop3A_103] : memref<8x10000xf32, #tpu.memory_space<vmem>>[vector<16xi32>, vector<16xi32>], vector<16xf32>,
          %parallel_loop3A_135 = tpu.vector_load_idx %arg5[%broadcast_in_dim3A_11, %parallel_loop3A_105] : memref<8x10000xf32, #tpu.memory_space<vmem>>[vector<16xi32>, vector<16xi32>], vector<16xf32>,
          %parallel_loop3A_136 = arith.subf %parallel_loop3A_134, %parallel_loop3A_135 : vector<16xf32>
          %parallel_loop3A_137 = arith.constant 4 : i32
          %parallel_loop3A_138 = arith.index_cast %parallel_loop3A_137 : i32 to index
          %parallel_loop3A_139 = arith.index_cast %parallel_loop3A_101 : i32 to index
          %parallel_loop3A_140 = tpu.vector_load %arg11[%parallel_loop3A_138, %parallel_loop3A_139] {strides = array<i32>} : memref<8x1280xf32, #tpu.memory_space<vmem>>, vector<16xf32>,
          tpu.vector_store %arg11[%parallel_loop3A_138, %parallel_loop3A_139], %parallel_loop3A_136 {strides = array<i32>} : memref<8x1280xf32, #tpu.memory_space<vmem>>, vector<16xf32>,
          %parallel_loop3A_141 = tpu.vector_load_idx %arg5[%broadcast_in_dim3A_13, %parallel_loop3A_103] : memref<8x10000xf32, #tpu.memory_space<vmem>>[vector<16xi32>, vector<16xi32>], vector<16xf32>,
          %parallel_loop3A_142 = tpu.vector_load_idx %arg5[%broadcast_in_dim3A_13, %parallel_loop3A_105] : memref<8x10000xf32, #tpu.memory_space<vmem>>[vector<16xi32>, vector<16xi32>], vector<16xf32>,
          %parallel_loop3A_143 = arith.subf %parallel_loop3A_141, %parallel_loop3A_142 : vector<16xf32>
          %parallel_loop3A_144 = arith.constant 5 : i32
          %parallel_loop3A_145 = arith.index_cast %parallel_loop3A_144 : i32 to index
          %parallel_loop3A_146 = arith.index_cast %parallel_loop3A_101 : i32 to index
          %parallel_loop3A_147 = tpu.vector_load %arg11[%parallel_loop3A_145, %parallel_loop3A_146] {strides = array<i32>} : memref<8x1280xf32, #tpu.memory_space<vmem>>, vector<16xf32>,
          tpu.vector_store %arg11[%parallel_loop3A_145, %parallel_loop3A_146], %parallel_loop3A_143 {strides = array<i32>} : memref<8x1280xf32, #tpu.memory_space<vmem>>, vector<16xf32>,
          %parallel_loop3A_148 = tpu.vector_load_idx %arg5[%broadcast_in_dim3A_15, %parallel_loop3A_103] : memref<8x10000xf32, #tpu.memory_space<vmem>>[vector<16xi32>, vector<16xi32>], vector<16xf32>,
          %parallel_loop3A_149 = tpu.vector_load_idx %arg5[%broadcast_in_dim3A_15, %parallel_loop3A_105] : memref<8x10000xf32, #tpu.memory_space<vmem>>[vector<16xi32>, vector<16xi32>], vector<16xf32>,
          %parallel_loop3A_150 = arith.subf %parallel_loop3A_148, %parallel_loop3A_149 : vector<16xf32>
          %parallel_loop3A_151 = arith.constant 6 : i32
          %parallel_loop3A_152 = arith.index_cast %parallel_loop3A_151 : i32 to index
          %parallel_loop3A_153 = arith.index_cast %parallel_loop3A_101 : i32 to index
          %parallel_loop3A_154 = tpu.vector_load %arg11[%parallel_loop3A_152, %parallel_loop3A_153] {strides = array<i32>} : memref<8x1280xf32, #tpu.memory_space<vmem>>, vector<16xf32>,
          tpu.vector_store %arg11[%parallel_loop3A_152, %parallel_loop3A_153], %parallel_loop3A_150 {strides = array<i32>} : memref<8x1280xf32, #tpu.memory_space<vmem>>, vector<16xf32>,
          %parallel_loop3A_155 = tpu.vector_load_idx %arg5[%broadcast_in_dim3A_17, %parallel_loop3A_103] : memref<8x10000xf32, #tpu.memory_space<vmem>>[vector<16xi32>, vector<16xi32>], vector<16xf32>,
          %parallel_loop3A_156 = tpu.vector_load_idx %arg5[%broadcast_in_dim3A_17, %parallel_loop3A_105] : memref<8x10000xf32, #tpu.memory_space<vmem>>[vector<16xi32>, vector<16xi32>], vector<16xf32>,
          %parallel_loop3A_157 = arith.subf %parallel_loop3A_155, %parallel_loop3A_156 : vector<16xf32>
          %parallel_loop3A_158 = arith.constant 7 : i32
          %parallel_loop3A_159 = arith.index_cast %parallel_loop3A_158 : i32 to index
          %parallel_loop3A_160 = arith.index_cast %parallel_loop3A_101 : i32 to index
          %parallel_loop3A_161 = tpu.vector_load %arg11[%parallel_loop3A_159, %parallel_loop3A_160] {strides = array<i32>} : memref<8x1280xf32, #tpu.memory_space<vmem>>, vector<16xf32>,
          tpu.vector_store %arg11[%parallel_loop3A_159, %parallel_loop3A_160], %parallel_loop3A_157 {strides = array<i32>} : memref<8x1280xf32, #tpu.memory_space<vmem>>, vector<16xf32>,
        } {sc.loop_unroll_factor = 4 : i64, sc.parallel_access}
        %mul3A_94 = arith.constant 1280 : i32
        %mul3A_95 = arith.muli %add3A_61, %mul3A_94 : i32
        %add3A_96 = arith.addi %mul3A_0, %mul3A_95 : i32
        %dma_start3A_97 = tpu.memref_slice %arg4[%mul3A_2, %add3A_96] : memref<128x320000xf32, #tpu.memory_space<hbm>> -> memref<8x1280xf32, #tpu.memory_space<hbm>>
        %dma_start3A_98 = tpu.memref_slice %arg4[%mul3A_2, %add3A_96] : memref<128x320000xf32, #tpu.memory_space<hbm>> -> memref<8x1280xf32, #tpu.memory_space<hbm>>
        tpu.enqueue_dma source(%arg11 : memref<8x1280xf32, #tpu.memory_space<vmem>>) target(%dma_start3A_98 : memref<8x1280xf32, #tpu.memory_space<hbm>>) target_semaphore(%arg17 : memref<!tpu.dma_semaphore, #tpu.memory_space<semaphore_mem>>)
      } else {
      }
    }
    %scan3A_27 = arith.constant 63 : i32
    %dma_wait3A = arith.constant 0 : i32
    %dma_wait3A_28 = arith.constant 0 : i32
    %dma_wait3A_29 = tpu.memref_slice %arg4[%dma_wait3A, %dma_wait3A_28] : memref<128x320000xf32, #tpu.memory_space<hbm>> -> memref<8x1280xf32, #tpu.memory_space<hbm>>
    %dma_wait3A_30 = arith.constant 0 : i32
    %dma_wait3A_31 = arith.constant 0 : i32
    %dma_wait3A_32 = tpu.memref_slice %arg4[%dma_wait3A_30, %dma_wait3A_31] : memref<128x320000xf32, #tpu.memory_space<hbm>> -> memref<8x1280xf32, #tpu.memory_space<hbm>>
    tpu.wait_dma2 semaphore(%arg16 : memref<!tpu.dma_semaphore, #tpu.memory_space<semaphore_mem>>) src(%arg10 : memref<8x1280xf32, #tpu.memory_space<vmem>>) dst(%dma_wait3A_32 : memref<8x1280xf32, #tpu.memory_space<hbm>>)
    return
  }
}

module attributes {stable_mosaic.version = 14 : i64} {
  func.func @_fill_body(%arg0: i32, %arg1: memref<16x1xf32, #tpu.memory_space<vmem>>, %arg2: memref<16x2560xf32, #tpu.memory_space<vmem>>) attributes {dimension_semantics = [#tpu.dimension_semantics<arbitrary>], iteration_bounds = array<i64: 125>, scalar_prefetch = 0 : i64, scratch_operands = 0 : i64, tpu.core_type = #tpu.core_type<tc>, window_params = [{pipeline_mode = #tpu.pipeline_mode<synchronous>, transform_indices = @transform_0, window_bounds = array<i64: 16, 1>}, {transform_indices = @transform_1, window_bounds = array<i64: 16, 2560>}]} {
    %get3A = arith.constant 0 : index
    %get3A_0 = arith.constant 0 : index
    %get3A_1 = vector.load %arg1[%get3A, %get3A_0] : memref<16x1xf32, #tpu.memory_space<vmem>>, vector<16x1xf32>
    %broadcast_in_dim3A = vector.shape_cast %get3A_1 : vector<16x1xf32> to vector<16x1xf32>
    %broadcast_in_dim3A_2 = vector.broadcast %broadcast_in_dim3A : vector<16x1xf32> to vector<16x2560xf32>
    %swap3A = arith.constant 0 : index
    %swap3A_3 = arith.constant 0 : index
    %swap3A_4 = vector.load %arg2[%swap3A, %swap3A_3] : memref<16x2560xf32, #tpu.memory_space<vmem>>, vector<16x2560xf32>
    tpu.vector_store %arg2[%swap3A, %swap3A_3], %broadcast_in_dim3A_2 {strides = array<i32>} : memref<16x2560xf32, #tpu.memory_space<vmem>>, vector<16x2560xf32>,
    return
  }
  func.func @transform_0(%arg0: i32) -> (i32, i32) {
    %c0_i32 = arith.constant 0 : i32
    %c0_i32_0 = arith.constant 0 : i32
    %c0_i32_1 = arith.constant 0 : i32
    return %c0_i32, %c0_i32_0 : i32, i32
  }
  func.func @transform_1(%arg0: i32) -> (i32, i32) {
    %c0_i32 = arith.constant 0 : i32
    %c0_i32_0 = arith.constant 0 : i32
    return %c0_i32, %arg0 : i32, i32
  }
}

</mosaic_0001>

<sc_bundles>
// kernel: kernel.4.cloned.1.call-start
scs
__scs_entry_jumppad:
0x0: {  	(pc) =	sbr.rel $0x88, $3  }
0x1: {  	(tag) =	ssettag $0x0;
	lr =	simm.s32 $0x1  }
0x2: {  	[smem:$0x3F9E] =	sst lr;
	_ =	strace $0xD0000000  }
0x3: {  	_ = 	snop  }
0x4: {  	_ = 	snop  }
0x5: {  	_ = 	snop  }
0x6: {  	_ = 	snop  }
0x7: {  	_ = 	snop  }
__scs_overlays_trampoline_lowered:
0x8: {  	[smem:$0x3FAD] =	sst s0  }
0x9: {  	[smem:$0x3FAE] =	sst s1  }
0xa: {  	[smem:$0x3FAF] =	sst s2  }
0xb: {  	[smem:$0x3FB0] =	sst s3  }
0xc: {  	[smem:$0x3FB1] =	sst s4  }
0xd: {  	[smem:$0x3FB2] =	sst s5  }
0xe: {  	[smem:$0x3FB3] =	sst s6  }
0xf: {  	[smem:$0x3FB4] =	sst s7  }
0x10: {  	[smem:$0x3FB5] =	sst s8  }
0x11: {  	[smem:$0x3FB6] =	sst s9;
	s0 =	simm.s32 @!p0 $0x0  }
0x12: {  	s1 =	sld [smem:$0x3F9C];
	s0 =	simm.s32 @p0 $0x1  }
0x13: {  	[smem:$0x3FB7] =	sst s0;
	s0 =	simm.s32 @!p1 $0x0  }
0x14: {  	s2 =	sld [smem:$0x3F9B];
	s0 =	simm.s32 @p1 $0x1  }
0x15: {  	[smem:$0x3FB8] =	sst s0;
	s0 =	simm.s32 @!p2 $0x0  }
0x16: {  	s3 =	sld [smem:$0x3FDB];
	s0 =	simm.s32 @p2 $0x1  }
0x17: {  	s4 =	simm.s32 $0x1BF5;
	[smem:$0x3FBA] =	sst s0  }
0x18: {  	s0 =	sld [smem:$0x3F9D];
	_ =	swait.ge [sflag:s4], $0x0  }
0x19: {  	s7 =	sld [smem:$0x3F9E]  }
0x1a: {  	s8 =	sadd.s32 $0xFFFFE003, lr  }
0x1b: {  	s9 =	sadd.s32 $0xFFFFFEF7, lr;
	s5 =	simm.s32 $0xFFFFFFFF;
	p2 =	slt.u32 s8, $0xFFFFF086  }
0x1c: {  	p1 =	slt.u32 s9, $0xF7A;
	s5 =	simm.s32 @!p2 $0x0  }
0x1d: {  	s5 =	simm.s32 @p1 $0x1;
	p0 =	seq.s32 s7, s2  }
0x1e: {  	s7 =	smul.u32 @!p0 $0xF7A, s2;
	p2 =	seq.s32 @!p0 s5, $0x0  }
0x1f: {  	s9 =	smul.u32 $0xF7A, s1;
	s8 =	simm.s32 @!p0 $0x1BF5;
	p2 =	por !p2, p0  }
0x20: {  	[sflag:s8] =	ssyncset.s32 @!p0 $0xFFFFF086;
	s6 =	sadd.s32 @!p0 s3, s7;
	s7 =	simm.s32 @!p0 $0x108  }
0x21: {  	s3 =	sadd.s32 s3, s9;
	s6 =	sadd.s32 @!p0 $0x88, s6;
	s7 =	simm.s32 @p2 $0x1082  }
0x22: {  	[simem:s7], [sflag:s8] =	dma.local @!p0 [hbm:s6], $0xF7A  }
0x23: {  	s9 =	sor.u32 $0xD0000000, s2;
	s6 =	simm.s32 $0x108;
	_ =	swait.ge @!p0 [sflag:s8], $0x0  }
0x24: {  	s3 =	sadd.s32 $0x88, s3;
	s6 =	simm.s32 @!p1 $0x1082;
	[sflag:s4] =	ssyncset.s32 $0xFFFFF086  }
0x25: {  	[simem:s6], [sflag:s4] =	dma.local [hbm:s3], $0xF7A  }
0x26: {  	[smem:$0x3F9E] =	sst s1;
	(tag) =	ssettag s2;
	_ =	strace s9  }
0x27: {  	s1 =	sld [smem:$0x3FAE]  }
0x28: {  	s2 =	sld [smem:$0x3FAF]  }
0x29: {  	s4 =	sld [smem:$0x3FB1]  }
0x2a: {  	p0 =	seq.s32 s5, $0x0;
	s5 =	sld [smem:$0x3FB2]  }
0x2b: {  	s6 =	sld [smem:$0x3FB3]  }
0x2c: {  	s7 =	sld [smem:$0x3FB4]  }
0x2d: {  	s3 =	simm.s32 $0x108;
	s8 =	sld [smem:$0x3FB5]  }
0x2e: {  	s3 =	simm.s32 @!p0 $0x1082;
	s9 =	sld [smem:$0x3FB6]  }
0x2f: {  	lr =	sadd.s32 s0, s3;
	s0 =	sld [smem:$0x3FAD]  }
0x30: {  	s3 =	sld [smem:$0x3FB0]  }
0x31: {  	[smem:$0x3FB9] =	sst s10  }
0x32: {  	s10 =	sld [smem:$0x3FB7];
	_ =	sdelay $0x3  }
0x33: {  	p0 =	seq.s32 s10, $0x1;
	s10 =	sld [smem:$0x3FB9];
	_ =	sdelay $0x3  }
0x34: {  	[smem:$0x3FB9] =	sst s10  }
0x35: {  	s10 =	sld [smem:$0x3FB8];
	_ =	sdelay $0x3  }
0x36: {  	p1 =	seq.s32 s10, $0x1;
	s10 =	sld [smem:$0x3FB9];
	_ =	sdelay $0x3  }
0x37: {  	[smem:$0x3FB9] =	sst s10  }
0x38: {  	s10 =	sld [smem:$0x3FBA]  }
0x39: {  	_ = 	snop;
	(pc) =	sbr.ind lr, $3  }
0x3a: {  	_ = 	snop  }
0x3b: {  	_ = 	snop  }
0x3c: {  	p2 =	seq.s32 s10, $0x1;
	s10 =	sld [smem:$0x3FB9]  }
0x3d: {  	_ =	shalt  }
0x3e: {  	_ =	shalt  }
0x3f: {  	_ =	shalt  }
0x40: {  	_ =	shalt  }
0x41: {  	_ =	shalt  }
0x42: {  	_ =	shalt  }
0x43: {  	_ =	shalt  }
0x44: {  	_ =	shalt  }
0x45: {  	_ =	shalt  }
0x46: {  	_ =	shalt  }
0x47: {  	_ =	shalt  }
0x48: {  	_ =	shalt  }
0x49: {  	_ =	shalt  }
0x4a: {  	_ =	shalt  }
0x4b: {  	_ =	shalt  }
0x4c: {  	_ =	shalt  }
0x4d: {  	_ =	shalt  }
0x4e: {  	_ =	shalt  }
0x4f: {  	_ =	shalt  }
0x50: {  	_ =	shalt  }
0x51: {  	_ =	shalt  }
0x52: {  	_ =	shalt  }
0x53: {  	_ =	shalt  }
0x54: {  	_ =	shalt  }
0x55: {  	_ =	shalt  }
0x56: {  	_ =	shalt  }
0x57: {  	_ =	shalt  }
0x58: {  	_ =	shalt  }
0x59: {  	_ =	shalt  }
0x5a: {  	_ =	shalt  }
0x5b: {  	_ =	shalt  }
0x5c: {  	_ =	shalt  }
0x5d: {  	_ =	shalt  }
0x5e: {  	_ =	shalt  }
0x5f: {  	_ =	shalt  }
0x60: {  	_ =	shalt  }
0x61: {  	_ =	shalt  }
0x62: {  	_ =	shalt  }
0x63: {  	_ =	shalt  }
0x64: {  	_ =	shalt  }
0x65: {  	_ =	shalt  }
0x66: {  	_ =	shalt  }
0x67: {  	_ =	shalt  }
0x68: {  	_ =	shalt  }
0x69: {  	_ =	shalt  }
0x6a: {  	_ =	shalt  }
0x6b: {  	_ =	shalt  }
0x6c: {  	_ =	shalt  }
0x6d: {  	_ =	shalt  }
0x6e: {  	_ =	shalt  }
0x6f: {  	_ =	shalt  }
0x70: {  	_ =	shalt  }
0x71: {  	_ =	shalt  }
0x72: {  	_ =	shalt  }
0x73: {  	_ =	shalt  }
0x74: {  	_ =	shalt  }
0x75: {  	_ =	shalt  }
0x76: {  	_ =	shalt  }
0x77: {  	_ =	shalt  }
0x78: {  	_ =	shalt  }
0x79: {  	_ =	shalt  }
0x7a: {  	_ =	shalt  }
0x7b: {  	_ =	shalt  }
0x7c: {  	_ =	shalt  }
0x7d: {  	_ =	shalt  }
0x7e: {  	_ =	shalt  }
0x7f: {  	_ =	shalt  }
0x80: {  	_ =	shalt  }
0x81: {  	_ =	shalt  }
0x82: {  	_ =	shalt  }
0x83: {  	_ =	shalt  }
0x84: {  	_ =	shalt  }
0x85: {  	_ =	shalt  }
0x86: {  	_ =	shalt  }
0x87: {  	_ =	shalt  }
.Lfunc_end0:
.L_simem_size_0:
called_computation_lowered:
.L_overlay_start_0:
0x88: {  	s2 =	sld [smem:$0x3FD9]  }
0x89: {  	s3 =	sld [smem:$0x3FFE];
	_ =	sdelay $0x1  }
0x8a: {  	s1 =	srdreg.scid  }
0x8b: {  	s0 =	sand.u32 $0x1, s1  }
0x8c: {  	s14 =	sshll.u32 s0, $0xA;
	s2 =	sadd.s32 s3, s2  }
0x8d: {  	s2 =	sadd.s32 s2, s14  }
0x8e: {  	[smem:$0x3FC5] =	sst s2  }
0x8f: {  	_ = 	snop  }
0x90: {  	s2 =	sld [smem:$0x3FD0];
	_ =	sdelay $0x2  }
0x91: {  	s4 =	simm.s32 $0xA;
	s5 =	simm.s32 $0x10;
	s15 =	sld [smem:$0x3FC9]  }
0x92: {  	[smem:s5], [sflag:s4] =	dma.local [hbm:s2], $0x1  }
0x93: {  	_ =	swait.eq [sflag:s4], $0x1  }
0x94: {  	[sflag:s4] =	ssyncset.done $0x0  }
0x95: {  	[sflag:s4] =	ssyncadd.s32 $0xFFFFFFFF  }
0x96: {  	s16 =	sld [smem:$0x10];
	(tm) =	ssettm $0x1  }
0x97: {  	s17 =	sld [smem:$0x3FFB];
	_ =	sdelay $0x3  }
0x98: {  	_ =	strace s17  }
0x99: {  	s4 =	sld [smem:$0x3FFC];
	_ =	sdelay $0x3  }
0x9a: {  	_ =	strace s4  }
0x9b: {  	s4 =	sld [smem:$0x3FFD];
	_ =	sdelay $0x3  }
0x9c: {  	_ =	strace s4  }
0x9d: {  	_ =	strace $0x8FFFFFFF  }
0x9e: {  	s18 =	sld [smem:$0x3FDB];
	_ =	sdelay $0x1  }
0x9f: {  	s19 =	simm.s32 $_scs_section_size  }
0xa0: {  	s6 =	simm.s32 $_size__tile_overlayer_lowered;
	s7 =	simm.s32 $_tile_overlayer_lowered  }
0xa1: {  	s22 =	simm.s32 $0x1BFF;
	s21 =	sshll.u32 s7, $0x1;
	s4 =	sadd.s32 s19, s18  }
0xa2: {  	s8 =	simm.s32 $0x0;
	s20 =	sshll.u32 s6, $0x1;
	s6 =	sadd.s32 s21, s4  }
0xa3: {  	[timem:s8], [sflag:s22] =	dma.local [hbm:s6], s20  }
0xa4: {  	_ =	swait.ge [sflag:s22], s20  }
0xa5: {  	s5 =	ssub.s32 $0x0, s20;
	[sflag:s22] =	ssyncset.done $0x0  }
0xa6: {  	[sflag:s22] =	ssyncadd.s32 s5;
	_ =	sdelay $0x1  }
0xa7: {  	s23 =	simm.s32 $0x1B8B  }
0xa8: {  	_ =	swait.ge [sflag:s23], $0x1  }
0xa9: {  	[sflag:s23] =	ssyncset.done $0x0  }
0xaa: {  	s25 =	simm.s32 $0x1B8E;
	s24 =	sld [smem:$0x3FFE];
	[sflag:s23] =	ssyncadd.s32 $0xFFFFFFFF  }
0xab: {  	s26 =	simm.s32 $execute0_lowered;
	[smem:$0x3FD2] =	sst s25  }
0xac: {  	s6 =	sshll.u32 s26, $0x1;
	_ =	strace $0x80000046;
	[dreg:$0x1] =	wrdreg $0xFFFFFFFF  }
0xad: {  	s28 =	simm.s32 $_size_execute0_lowered;
	s4 =	sadd.s32 s4, s6;
	[dreg:$0x0] =	wrdreg $0x0  }
0xae: {  	s6 =	sshll.u32 s28, $0x1;
	[dreg:$0x2] =	wrdreg s4  }
0xaf: {  	[dreg:$0x3] =	wrdreg s6  }
0xb0: {  	[dreg:$0x4] =	wrdreg $0xC0  }
0xb1: {  	_ =	task [dreg:s8], $0x5FFFF  }
0xb2: {  	[dreg:$0x1] =	wrdreg $0xFFFFFFFF  }
0xb3: {  	[dreg:$0x0] =	wrdreg $0x60  }
0xb4: {  	[dreg:$0x2] =	wrdreg s15  }
0xb5: {  	[dreg:$0x3] =	wrdreg s24  }
0xb6: {  	[dreg:$0x4] =	wrdreg s16  }
0xb7: {  	[dreg:$0x5] =	wrdreg $0x9  }
0xb8: {  	_ =	task.clear_ibuf [dreg:s8], $0x6FFFF;
	_ =	strace $0x90000046  }
0xb9: {  	s29 =	simm.s32 $0x9;
	_ =	strace $0x80000048  }
0xba: {  	_ =	swait.ge [sflag:s29], $0x1  }
0xbb: {  	[sflag:s29] =	ssyncadd.s32 $0xFFFFFFFF  }
0xbc: {  	_ =	strace $0x90000048  }
0xbd: {  	_ =	sfence  }
0xbe: {  	s30 =	sld [smem:$0x0];
	_ =	sdelay $0x2  }
0xbf: {  	s31 =	sshll.u32 s1, $0xD;
	s1 =	sshrl.u32 s1, $0x2  }
0xc0: {  	s3 =	sand.u32 $0x4000, s31;
	s1 =	sadd.s32 s1, s30  }
0xc1: {  	s0 =	sor.u32 s3, s0;
	s1 =	sshll.u32 s1, $0x11  }
0xc2: {  	s0 =	sor.u32 s1, s0  }
0xc3: {  	s0 =	sadd.s32 $0x8F2B, s0  }
0xc4: {  	[sflag:s0] =	ssyncadd.remote.s32 $0x1  }
0xc5: {  	_ =	sfence.sel $0xFFFF  }
0xc6: {  	[dreg:$0x0] =	wrdreg $0xFFFFFFFF;
	(pc) =	sbr.abs _section_cstart, $3  }
0xc7: {  	[dreg:$0x1] =	wrdreg $0xFFFFFFFF  }
0xc8: {  	_ =	task.clear_ibuf [dreg:s8], $0x2FFFF;
	_ =	strace $0x9FFFFFFF  }
0xc9: {  	(tm) =	ssettm $0x7FFFFFFF  }
tec
execute0_lowered:
.L_overlay_start_1:
0x0: {  	(tag) =	ssettag $0x1  }
0x1: {  	s0 =	rddreg [dreg:$0x0]  }
0x2: {  	s2 =	rddreg [dreg:$0x1]  }
0x3: {  	s5 =	rddreg [dreg:$0x2]  }
0x4: {  	s1 =	simm.s32 $0x0;
	s3 =	srdreg.scid;
	s9 =	stileid.u32  }
0x5: {  	s14 =	simm.s32 $0x5;
	s15 =	simm.s32 $0x1;
	s16 =	simm.s32 $0x3  }
0x6: {  	[smem:$0x7FF] =	sst s1;
	s6 =	sand.u32 $0x1, s3;
	s7 =	smul.u32 $0x2780, s9  }
0x7: {  	s4 =	sadd.s32 $0x400, s2;
	s3 =	smul.u32 $0x27100, s6;
	s26 =	ssub.s32 $0x2, s6  }
0x8: {  	s28 =	smul.u32 $0x4E200, s9;
	_ =	strace $0x80000047;
	s6 =	sshrl.u32 s26, $0x1  }
.Ltmp0:
0x9: {  	s0 =	sadd.s32 s0, s7;
	s8 =	sshrl.u32 s3, $0x3;
	(pc) =	sbr.rel .LBB2_1-.Ltmp0, $4  }
0xa: {  	s2 =	ssub.s32 s26, s6;
	[dreg:$0x5] =	wrdreg s0;
	s8 =	sadd.s32 s4, s8  }
0xb: {  	s30 =	sadd.s32 s5, s3;
	s31 =	smax.u32 s2, $0x1;
	[dreg:$0x4] =	wrdreg s8  }
0xc: {  	s9 =	sadd.s32 $0xA00, s3;
	s29 =	sadd.s32 $0x9C40, s8;
	[dreg:$0x7] =	wrdreg s31  }
0xd: {  	s2 =	simm.s32 $0x0;
	s8 =	sadd.s32 s28, s30;
	[dreg:$0x6] =	wrdreg s29  }
.LBB2_9:
0xe: {  	_ =	swait.ge [sflag:s14], $0x2800  }
0xf: {  	s2 =	rddreg [dreg:$0x8]  }
0x10: {  	s0 =	rddreg [dreg:$0x7];
	s2 =	sadd.s32 $0x1, s2  }
0x11: {  	p0 =	sne.s32 s2, s0  }
.Ltmp1:
0x12: {  	_ = 	snop;
	(pc) =	sbr.rel @!p0 .LBB2_10-.Ltmp1, $3  }
0x13: {  	_ =	sdelay $0x1  }
0x14: {  	[sflag:s14] =	ssyncset.done $0x0  }
0x15: {  	[sflag:s14] =	ssyncadd.s32 $0xFFFFD800  }
.LBB2_1:
0x16: {  	[dreg:$0x8] =	wrdreg s2  }
0x17: {  	s0 =	rddreg [dreg:$0x5];
	s26 =	simm.s32 $0x7  }
0x18: {  	[tilespmem:s1], [sflag:$0x7] =	stream.linear.gather [hbm4b:s0+s1], $0x13C00, $0x38;
	[tilespmem:$0x1A000] =	vst v63  }
0x19: {  	_ =	swait.ge [sflag:s26], $0x13C00  }
.Ltmp2:
0x1a: {  	[sflag:s26] =	ssyncset.done $0x0;
	(pc) =	sbr.rel .LBB2_2-.Ltmp2, $4  }
0x1b: {  	s29 =	simm.s32 $0x13C00;
	s28 =	rddreg [dreg:$0x4];
	[sflag:s26] =	ssyncadd.s32 $0xFFFEC400  }
0x1c: {  	[tilespmem:s29], [sflag:$0x1] =	stream.linear.gather [hbm4b:s28+s1], $0x500, $0x38;
	[tilespmem:$0x1A000] =	vst v63  }
0x1d: {  	s31 =	simm.s32 $0x14600;
	s23 =	simm.s32 $0x0;
	s30 =	rddreg [dreg:$0x6]  }
0x1e: {  	[tilespmem:s31], [sflag:$0x3] =	stream.linear.gather [hbm4b:s30+s1], $0x500, $0x38;
	[tilespmem:$0x1A000] =	vst v63  }
.LBB2_8:
0x1f: {  	s23 =	sadd.s32 $0x1, s23  }
0x20: {  	p0 =	sne.s32 s23, $0x3F  }
.Ltmp3:
0x21: {  	_ = 	snop;
	(pc) =	sbr.rel @!p0 .LBB2_9-.Ltmp3, $1  }
0x22: {  	_ =	sdelay $0x3  }
.LBB2_2:
0x23: {  	s24 =	sshllo.u32 s23, $0x1  }
0x24: {  	p0 =	sgt.u32 s24, $0x7C  }
0x25: {  	s0 =	smul.u32 @!p0 $0x500, s24;
	_ =	sdelay $0x1  }
0x26: {  	s0 =	sadd.s32 @!p0 s3, s0  }
0x27: {  	s0 =	sshrl.u32 @!p0 s0, $0x3  }
0x28: {  	s2 =	simm.s32 @!p0 $0x0;
	s5 =	simm.s32 @!p0 $0x14100;
	s0 =	sadd.s32 @!p0 s4, s0  }
0x29: {  	[tilespmem:s5], [sflag:$0x2] =	stream.linear.gather @!p0 [hbm4b:s0+s2], $0x500, $0x38;
	[tilespmem:$0x1A000] =	vst v63  }
0x2a: {  	s25 =	sshll.u32 s23, $0x1;
	s0 =	sadd.s32 @!p0 $0x9C40, s0;
	s5 =	simm.s32 @!p0 $0x14B00  }
0x2b: {  	[tilespmem:s5], [sflag:$0x4] =	stream.linear.gather @!p0 [hbm4b:s0+s2], $0x500, $0x38;
	[tilespmem:$0x1A000] =	vst v63  }
0x2c: {  	s0 =	sadd.s32 @!p0 $0xFFFFFFFE, s25  }
0x2d: {  	p1 =	sgt.u32 @!p0 s0, $0x7C  }
0x2e: {  	p1 =	por p0, !p1  }
0x2f: {  	_ =	swait.ge @p1 [sflag:s14], $0x2800  }
0x30: {  	[sflag:s14] =	ssyncset.done @p1 $0x0  }
0x31: {  	[sflag:s14] =	ssyncadd.s32 @p1 $0xFFFFD800  }
0x32: {  	_ =	swait.ge [sflag:s15], $0x500  }
0x33: {  	[sflag:s15] =	ssyncset.done $0x0  }
0x34: {  	[sflag:s15] =	ssyncadd.s32 $0xFFFFFB00  }
0x35: {  	s22 =	simm.s32 $0x0;
	_ =	swait.ge [sflag:s16], $0x500  }
0x36: {  	s12 =	simm.s32 $0x13C00;
	s26 =	sand.u32 $0x40, s22;
	[sflag:s16] =	ssyncset.done $0x0  }
0x37: {  	s7 =	sand.u32 $0x780, s22;
	s10 =	sor.u32 $0x10, s26;
	[sflag:s16] =	ssyncadd.s32 $0xFFFFFB00  }
0x38: {  	s13 =	sor.u32 s7, s10;
	v0 =	vld [tilespmem:s12+$0x0]  }
0x39: {  	s6 =	simm.s32 $0x14600;
	v1 =	vld [tilespmem:s13+$0x14600]  }
0x3a: {  	v2 =	vld [tilespmem:s6+$0x0]  }
0x3b: {  	v3 =	vld [tilespmem:s13+$0x13C00]  }
0x3c: {  	s17 =	sor.u32 $0x20, s26  }
0x3d: {  	s11 =	sor.u32 s7, s17  }
0x3e: {  	v5 =	vld [tilespmem:s11+$0x14600];
	v4 =	vshll.u32 v0, $0x3;
	v6 =	vshll.u32 v1, $0x3;
	v0 =	vand.u32 $0x7F, v0  }
0x3f: {  	s18 =	sor.u32 $0x30, s26;
	v7 =	vld [tilespmem:s11+$0x13C00];
	v1 =	vand.u32 $0x7F, v1;
	v4 =	vand.u32 $0xFFFFFC00, v4;
	v6 =	vand.u32 $0xFFFFFC00, v6  }
0x40: {  	s7 =	sor.u32 s7, s18;
	v9 =	vor.u32 v0, v4;
	v0 =	vshll.u32 v2, $0x3;
	v4 =	vshll.u32 v3, $0x3  }
0x41: {  	v11 =	vld [tilespmem:s7+$0x13C00];
	v3 =	vand.u32 $0x7F, v3;
	v12 =	vor.u32 v1, v6;
	v4 =	vand.u32 $0xFFFFFC00, v4  }
0x42: {  	v1 =	vld [tilespmem:s7+$0x14600];
	v2 =	vand.u32 $0x7F, v2;
	v0 =	vand.u32 $0xFFFFFC00, v0;
	v8 =	vor.u32 v3, v4  }
0x43: {  	v3 =	vshll.u32 v5, $0x3;
	v10 =	vor.u32 v2, v0  }
0x44: {  	v0 =	vand.u32 $0x7F, v5;
	v2 =	vand.u32 $0xFFFFFC00, v3;
	v3 =	vshll.u32 v7, $0x3  }
0x45: {  	v14 =	vor.u32 v0, v2;
	v0 =	vand.u32 $0x7F, v7;
	v2 =	vand.u32 $0xFFFFFC00, v3;
	v3 =	vld.idx.msk [tilespmem:v9+s1+$0x0], $0xffff  }
0x46: {  	v4 =	vshll.u32 v11, $0x3;
	v15 =	vor.u32 v0, v2;
	v0 =	vld.idx.msk [tilespmem:v12+s1+$0x0], $0xffff  }
0x47: {  	v5 =	vand.u32 $0x7F, v11;
	v4 =	vand.u32 $0xFFFFFC00, v4;
	v2 =	vshll.u32 v1, $0x3;
	v6 =	vld.idx.msk [tilespmem:v8+s1+$0x0], $0xffff  }
0x48: {  	v13 =	vor.u32 v5, v4;
	v1 =	vand.u32 $0x7F, v1;
	v2 =	vand.u32 $0xFFFFFC00, v2;
	v7 =	vld.idx.msk [tilespmem:v10+s1+$0x0], $0xffff  }
0x49: {  	v11 =	vor.u32 v1, v2  }
0x4a: {  	v2 =	vor.u32 $0x80, v12;
	v1 =	vld.idx.msk [tilespmem:v14+s1+$0x0], $0xffff  }
0x4b: {  	s2 =	sand.u32 $0x3C00, s22;
	v5 =	vor.u32 $0x80, v9;
	v4 =	vld.idx.msk [tilespmem:v15+s1+$0x0], $0xffff  }
0x4c: {  	s19 =	sadd.s32 $0x15000, s2;
	v16 =	vor.u32 $0x80, v8;
	v0 =	vsub.f32 v6, v0  }
0x4d: {  	s2 =	sor.u32 s10, s19;
	v3 =	vsub.f32 v3, v7;
	v6 =	vld.idx.msk [tilespmem:v13+s1+$0x0], $0xffff;
	v7 =	vor.u32 $0x80, v10  }
0x4e: {  	s12 =	sor.u32 s26, s19;
	v17 =	vor.u32 $0x80, v15;
	v18 =	vld.idx.msk [tilespmem:v11+s1+$0x0], $0xffff;
	[tilespmem:s2+$0x0] =	vst v0  }
0x4f: {  	v0 =	vor.u32 $0x80, v14;
	[tilespmem:s12+$0x0] =	vst v3;
	v2 =	vld.idx.msk [tilespmem:v2+s1+$0x0], $0xffff  }
0x50: {  	v1 =	vsub.f32 v4, v1;
	v3 =	vld.idx.msk [tilespmem:v5+s1+$0x0], $0xffff  }
0x51: {  	s20 =	sor.u32 s17, s19;
	v4 =	vld.idx.msk [tilespmem:v16+s1+$0x0], $0xffff  }
0x52: {  	[tilespmem:s20+$0x0] =	vst v1;
	v1 =	vor.u32 $0x80, v13;
	v5 =	vld.idx.msk [tilespmem:v7+s1+$0x0], $0xffff  }
0x53: {  	v7 =	vor.u32 $0x80, v11;
	v16 =	vld.idx.msk [tilespmem:v17+s1+$0x0], $0xffff  }
0x54: {  	v6 =	vsub.f32 v6, v18;
	v17 =	vor.u32 $0x100, v8;
	v0 =	vld.idx.msk [tilespmem:v0+s1+$0x0], $0xffff  }
0x55: {  	s0 =	sor.u32 s18, s19;
	v18 =	vor.u32 $0x100, v9  }
0x56: {  	[tilespmem:s0+$0x0] =	vst v6;
	v6 =	vor.u32 $0x100, v10;
	v2 =	vsub.f32 v4, v2  }
0x57: {  	v4 =	vor.u32 $0x100, v15;
	v1 =	vld.idx.msk [tilespmem:v1+s1+$0x0], $0xffff;
	v3 =	vsub.f32 v3, v5  }
0x58: {  	v5 =	vld.idx.msk [tilespmem:v7+s1+$0x0], $0xffff;
	[tilespmem:s2+$0x80] =	vst v2;
	v2 =	vor.u32 $0x100, v14  }
0x59: {  	v7 =	vor.u32 $0x100, v12;
	v0 =	vsub.f32 v16, v0;
	v16 =	vld.idx.msk [tilespmem:v17+s1+$0x0], $0xffff;
	[tilespmem:s12+$0x80] =	vst v3  }
0x5a: {  	v3 =	vld.idx.msk [tilespmem:v18+s1+$0x0], $0xffff  }
0x5b: {  	s21 =	simm.s32 $0x40;
	[tilespmem:s20+$0x80] =	vst v0;
	v0 =	vld.idx.msk [tilespmem:v6+s1+$0x0], $0xffff  }
0x5c: {  	s6 =	sand.u32 $0x40, s21;
	v4 =	vld.idx.msk [tilespmem:v4+s1+$0x0], $0xffff  }
0x5d: {  	s13 =	sand.u32 $0x780, s21;
	s10 =	sor.u32 $0x10, s6;
	v2 =	vld.idx.msk [tilespmem:v2+s1+$0x0], $0xffff  }
0x5e: {  	s17 =	sor.u32 s13, s10;
	s7 =	sor.u32 $0x30, s6;
	v1 =	vsub.f32 v1, v5;
	v5 =	vld.idx.msk [tilespmem:v7+s1+$0x0], $0xffff;
	v7 =	vor.u32 $0x180, v9  }
0x5f: {  	s11 =	sor.u32 $0x20, s6;
	v31 =	vld [tilespmem:s17+$0x13C00];
	s18 =	sor.u32 s13, s7;
	v17 =	vor.u32 $0x180, v10  }
0x60: {  	s13 =	sor.u32 s13, s11;
	v19 =	vld [tilespmem:s18+$0x13C00];
	[tilespmem:s0+$0x80] =	vst v1;
	v1 =	vor.u32 $0x180, v14;
	v0 =	vsub.f32 v3, v0  }
0x61: {  	s26 =	simm.s32 $0x13C40;
	v20 =	vld [tilespmem:s13+$0x14600];
	v3 =	vor.u32 $0x180, v12  }
0x62: {  	v18 =	vld [tilespmem:s26+$0x0];
	v6 =	vor.u32 $0x100, v13;
	[tilespmem:s12+$0x100] =	vst v0;
	v0 =	vsub.f32 v4, v2  }
0x63: {  	v4 =	vsub.f32 v16, v5;
	v5 =	vld.idx.msk [tilespmem:v7+s1+$0x0], $0xffff  }
0x64: {  	v2 =	vor.u32 $0x180, v15;
	v7 =	vld.idx.msk [tilespmem:v17+s1+$0x0], $0xffff;
	[tilespmem:s20+$0x100] =	vst v0  }
0x65: {  	v17 =	vor.u32 $0x180, v8;
	[tilespmem:s2+$0x100] =	vst v4;
	v0 =	vld.idx.msk [tilespmem:v1+s1+$0x0], $0xffff  }
0x66: {  	v1 =	vld.idx.msk [tilespmem:v3+s1+$0x0], $0xffff;
	v3 =	vor.u32 $0x100, v11  }
0x67: {  	v6 =	vld.idx.msk [tilespmem:v6+s1+$0x0], $0xffff  }
0x68: {  	v16 =	vld [tilespmem:s18+$0x14600]  }
0x69: {  	v2 =	vld.idx.msk [tilespmem:v2+s1+$0x0], $0xffff  }
0x6a: {  	v21 =	vor.u32 $0x200, v9;
	v17 =	vld.idx.msk [tilespmem:v17+s1+$0x0], $0xffff  }
0x6b: {  	v22 =	vor.u32 $0x200, v10;
	v3 =	vld.idx.msk [tilespmem:v3+s1+$0x0], $0xffff  }
0x6c: {  	s22 =	simm.s32 $0x14640;
	v23 =	vor.u32 $0x200, v15;
	v4 =	vld [tilespmem:s17+$0x14600];
	v5 =	vsub.f32 v5, v7  }
0x6d: {  	v25 =	vor.u32 $0x200, v14;
	v7 =	vld [tilespmem:s22+$0x0]  }
0x6e: {  	v27 =	vor.u32 $0x200, v12;
	v28 =	vor.u32 $0x200, v8;
	[tilespmem:s12+$0x180] =	vst v5;
	v5 =	vld [tilespmem:s13+$0x13C00];
	v0 =	vsub.f32 v2, v0  }
0x6f: {  	v26 =	vor.u32 $0x180, v11;
	v30 =	vshll.u32 v18, $0x3;
	v21 =	vld.idx.msk [tilespmem:v21+s1+$0x0], $0xffff;
	v2 =	vor.u32 $0x180, v13  }
0x70: {  	v22 =	vld.idx.msk [tilespmem:v22+s1+$0x0], $0xffff;
	v17 =	vsub.f32 v17, v1;
	[tilespmem:s20+$0x180] =	vst v0;
	v0 =	vshll.u32 v20, $0x3;
	v3 =	vsub.f32 v6, v3  }
0x71: {  	v6 =	vand.u32 $0x7F, v18;
	v18 =	vand.u32 $0x7F, v20;
	v0 =	vand.u32 $0xFFFFFC00, v0;
	v20 =	vld.idx.msk [tilespmem:v23+s1+$0x0], $0xffff  }
0x72: {  	s5 =	simm.s32 $0x1;
	p1 =	por $0x0, $0x0;
	v24 =	vor.u32 $0x280, v10;
	v1 =	vand.u32 $0xFFFFFC00, v30;
	[tilespmem:s2+$0x180] =	vst v17;
	v0 =	vor.u32 v18, v0;
	v18 =	vld.idx.msk [tilespmem:v25+s1+$0x0], $0xffff  }
0x73: {  	s5 =	simm.s32 @!p1 $0x0;
	v56 =	vor.u32 $0x280, v15;
	v23 =	vshll.u32 v5, $0x3;
	v1 =	vor.u32 v6, v1;
	v17 =	vld.idx.msk [tilespmem:v28+s1+$0x0], $0xffff;
	[tilespmem:s0+$0x100] =	vst v3  }
0x74: {  	s5 =	sshll.u32 s5, $0x6;
	v3 =	vand.u32 $0x7F, v5;
	v5 =	vand.u32 $0xFFFFFC00, v23;
	v23 =	vld.idx.msk [tilespmem:v2+s1+$0x0], $0xffff;
	v2 =	vshll.u32 v7, $0x3  }
0x75: {  	s28 =	sadd.s32 $0x0, s5;
	v3 =	vor.u32 v3, v5;
	v6 =	vld.idx.msk [tilespmem:v26+s1+$0x0], $0xffff;
	v5 =	vand.u32 $0x7F, v7;
	v7 =	vsub.f32 v21, v22  }
0x76: {  	s17 =	sor.u32 $0x200, s28;
	v29 =	vshll.u32 v4, $0x3;
	v4 =	vand.u32 $0x7F, v4;
	v22 =	vld.idx.msk [tilespmem:v27+s1+$0x0], $0xffff;
	v2 =	vand.u32 $0xFFFFFC00, v2  }
0x77: {  	v21 =	vand.u32 $0xFFFFFC00, v29;
	v2 =	vor.u32 v5, v2;
	v5 =	vshll.u32 v31, $0x3;
	[tilespmem:s17+$0x15000] =	vst v7;
	v58 =	vld.idx.msk [tilespmem:v0+s1+$0x0], $0xffff  }
0x78: {  	s5 =	sadd.s32 $0x20, s28;
	v7 =	vand.u32 $0xFFFFFC00, v5;
	v5 =	vor.u32 v4, v21;
	v21 =	vld.idx.msk [tilespmem:v24+s1+$0x0], $0xffff;
	v18 =	vsub.f32 v20, v18  }
0x79: {  	v61 =	vor.u32 $0x200, v13;
	s18 =	sor.u32 $0x200, s5;
	v59 =	vld.idx.msk [tilespmem:v1+s1+$0x0], $0xffff  }
0x7a: {  	v57 =	vand.u32 $0x7F, v31;
	v60 =	vshll.u32 v19, $0x3;
	v63 =	vor.u32 $0x200, v11;
	v20 =	vld.idx.msk [tilespmem:v3+s1+$0x0], $0xffff;
	[tilespmem:s18+$0x15000] =	vst v18  }
0x7b: {  	v19 =	vand.u32 $0x7F, v19;
	v4 =	vor.u32 v57, v7;
	v23 =	vsub.f32 v23, v6;
	v25 =	vld.idx.msk [tilespmem:v56+s1+$0x0], $0xffff  }
0x7c: {  	v26 =	vand.u32 $0xFFFFFC00, v60;
	v7 =	vshll.u32 v16, $0x3;
	v18 =	vor.u32 $0x280, v14;
	v62 =	vld.idx.msk [tilespmem:v2+s1+$0x0], $0xffff  }
0x7d: {  	v36 =	vand.u32 $0xFFFFFC00, v7;
	v7 =	vor.u32 v19, v26;
	[tilespmem:s0+$0x180] =	vst v23;
	v32 =	vld.idx.msk [tilespmem:v5+s1+$0x0], $0xffff  }
0x7e: {  	v16 =	vand.u32 $0x7F, v16;
	v19 =	vor.u32 $0x280, v8;
	v37 =	vld.idx.msk [tilespmem:v61+s1+$0x0], $0xffff  }
0x7f: {  	v6 =	vor.u32 v16, v36;
	v38 =	vld.idx.msk [tilespmem:v63+s1+$0x0], $0xffff  }
0x80: {  	s29 =	sadd.s32 $0x10, s28;
	v17 =	vsub.f32 v17, v22;
	v23 =	vor.u32 $0x280, v12;
	v16 =	vld.idx.msk [tilespmem:v4+s1+$0x0], $0xffff  }
0x81: {  	s20 =	sor.u32 $0x200, s29;
	v48 =	vor.u32 $0x80, v0;
	s0 =	simm.s32 $0x200;
	v18 =	vld.idx.msk [tilespmem:v18+s1+$0x0], $0xffff  }
0x82: {  	v43 =	vor.u32 $0x80, v1;
	[tilespmem:s20+$0x15000] =	vst v17;
	s19 =	sand.u32 $0x3C00, s0;
	v40 =	vld.idx.msk [tilespmem:v7+s1+$0x0], $0xffff  }
0x83: {  	v53 =	vor.u32 $0x80, v2;
	s21 =	sadd.s32 $0x15000, s19;
	v17 =	vsub.f32 v20, v58;
	v19 =	vld.idx.msk [tilespmem:v19+s1+$0x0], $0xffff  }
0x84: {  	v22 =	vor.u32 $0x80, v3;
	s12 =	sor.u32 s11, s21;
	v20 =	vld.idx.msk [tilespmem:v6+s1+$0x0], $0xffff;
	v24 =	vsub.f32 v59, v62  }
0x85: {  	v46 =	vor.u32 $0x280, v13;
	s13 =	sor.u32 s6, s21;
	[tilespmem:s12+$0x0] =	vst v17;
	v23 =	vld.idx.msk [tilespmem:v23+s1+$0x0], $0xffff  }
0x86: {  	s31 =	sadd.s32 $0x30, s28;
	v47 =	vor.u32 $0x280, v11;
	v26 =	vsub.f32 v37, v38;
	v51 =	vld.idx.msk [tilespmem:v48+s1+$0x0], $0xffff;
	[tilespmem:s13+$0x0] =	vst v24  }
0x87: {  	v41 =	vor.u32 $0x300, v15;
	s2 =	sor.u32 s10, s21;
	s10 =	sor.u32 $0x200, s31;
	v16 =	vsub.f32 v16, v32;
	v18 =	vsub.f32 v25, v18;
	v25 =	vld.idx.msk [tilespmem:v43+s1+$0x0], $0xffff  }
0x88: {  	v42 =	vor.u32 $0x300, v14;
	[tilespmem:s10+$0x15000] =	vst v26;
	v56 =	vld.idx.msk [tilespmem:v53+s1+$0x0], $0xffff  }
0x89: {  	v39 =	vor.u32 $0x80, v5;
	[tilespmem:s2+$0x0] =	vst v16;
	v16 =	vld.idx.msk [tilespmem:v22+s1+$0x0], $0xffff  }
0x8a: {  	s22 =	sor.u32 $0x280, s5;
	v17 =	vor.u32 $0x280, v9;
	v26 =	vld.idx.msk [tilespmem:v46+s1+$0x0], $0xffff  }
0x8b: {  	v44 =	vor.u32 $0x80, v7;
	v24 =	vld.idx.msk [tilespmem:v47+s1+$0x0], $0xffff;
	[tilespmem:s22+$0x15000] =	vst v18  }
0x8c: {  	v20 =	vsub.f32 v40, v20;
	v18 =	vor.u32 $0x80, v6;
	v27 =	vld.idx.msk [tilespmem:v41+s1+$0x0], $0xffff  }
0x8d: {  	v52 =	vor.u32 $0x300, v12;
	s30 =	sor.u32 s7, s21;
	v45 =	vld.idx.msk [tilespmem:v42+s1+$0x0], $0xffff  }
0x8e: {  	v22 =	vld.idx.msk [tilespmem:v39+s1+$0x0], $0xffff;
	[tilespmem:s30+$0x0] =	vst v20;
	v20 =	vor.u32 $0x80, v4  }
0x8f: {  	v61 =	vor.u32 $0x100, v3;
	v17 =	vld.idx.msk [tilespmem:v17+s1+$0x0], $0xffff;
	v19 =	vsub.f32 v19, v23  }
0x90: {  	s17 =	sor.u32 $0x280, s29;
	v14 =	vor.u32 $0x380, v14;
	v49 =	vld.idx.msk [tilespmem:v44+s1+$0x0], $0xffff  }
0x91: {  	v15 =	vor.u32 $0x380, v15;
	[tilespmem:s17+$0x15000] =	vst v19;
	v16 =	vsub.f32 v16, v51;
	v18 =	vld.idx.msk [tilespmem:v18+s1+$0x0], $0xffff  }
0x92: {  	v50 =	vor.u32 $0x300, v8;
	v55 =	vld.idx.msk [tilespmem:v52+s1+$0x0], $0xffff;
	v27 =	vsub.f32 v27, v45  }
0x93: {  	s11 =	sor.u32 $0x300, s5;
	v23 =	vor.u32 $0x300, v10;
	v20 =	vld.idx.msk [tilespmem:v20+s1+$0x0], $0xffff;
	[tilespmem:s12+$0x80] =	vst v16  }
0x94: {  	v19 =	vor.u32 $0x100, v7;
	v16 =	vld.idx.msk [tilespmem:v61+s1+$0x0], $0xffff;
	[tilespmem:s11+$0x15000] =	vst v27  }
0x95: {  	v54 =	vor.u32 $0x300, v9;
	v27 =	vld.idx.msk [tilespmem:v14+s1+$0x0], $0xffff;
	v14 =	vsub.f32 v17, v21  }
0x96: {  	s18 =	sor.u32 $0x280, s28;
	v15 =	vld.idx.msk [tilespmem:v15+s1+$0x0], $0xffff;
	v21 =	vor.u32 $0x300, v13;
	v18 =	vsub.f32 v49, v18  }
0x97: {  	v59 =	vor.u32 $0x100, v2;
	v17 =	vld.idx.msk [tilespmem:v50+s1+$0x0], $0xffff;
	[tilespmem:s18+$0x15000] =	vst v14;
	v14 =	vsub.f32 v26, v24  }
0x98: {  	v57 =	vor.u32 $0x300, v11;
	s19 =	sor.u32 $0x280, s31;
	[tilespmem:s30+$0x80] =	vst v18;
	v18 =	vld.idx.msk [tilespmem:v23+s1+$0x0], $0xffff  }
0x99: {  	v58 =	vor.u32 $0x100, v4;
	v24 =	vsub.f32 v25, v56;
	[tilespmem:s19+$0x15000] =	vst v14;
	v14 =	vld.idx.msk [tilespmem:v19+s1+$0x0], $0xffff  }
0x9a: {  	v23 =	vor.u32 $0x100, v5;
	v19 =	vsub.f32 v20, v22;
	v22 =	vld.idx.msk [tilespmem:v54+s1+$0x0], $0xffff  }
0x9b: {  	v62 =	vor.u32 $0x100, v0;
	[tilespmem:s13+$0x80] =	vst v24;
	v20 =	vld.idx.msk [tilespmem:v21+s1+$0x0], $0xffff  }
0x9c: {  	v21 =	vor.u32 $0x100, v1;
	v28 =	vld.idx.msk [tilespmem:v59+s1+$0x0], $0xffff  }
0x9d: {  	v12 =	vor.u32 $0x380, v12;
	[tilespmem:s2+$0x80] =	vst v19;
	v19 =	vld.idx.msk [tilespmem:v57+s1+$0x0], $0xffff  }
0x9e: {  	v9 =	vor.u32 $0x380, v9;
	v17 =	vsub.f32 v17, v55;
	v60 =	vld.idx.msk [tilespmem:v58+s1+$0x0], $0xffff  }
0x9f: {  	s20 =	sor.u32 $0x300, s29;
	v63 =	vor.u32 $0x380, v10;
	v15 =	vsub.f32 v15, v27;
	v23 =	vld.idx.msk [tilespmem:v23+s1+$0x0], $0xffff  }
0xa0: {  	s5 =	sor.u32 $0x380, s5;
	v13 =	vor.u32 $0x380, v13;
	[tilespmem:s20+$0x15000] =	vst v17;
	v17 =	vld.idx.msk [tilespmem:v62+s1+$0x0], $0xffff;
	v10 =	vsub.f32 v22, v18  }
0xa1: {  	s21 =	sor.u32 $0x300, s28;
	[tilespmem:s5+$0x15000] =	vst v15;
	v22 =	vor.u32 $0x380, v11;
	v21 =	vld.idx.msk [tilespmem:v21+s1+$0x0], $0xffff  }
0xa2: {  	v15 =	vor.u32 $0x380, v8;
	v12 =	vld.idx.msk [tilespmem:v12+s1+$0x0], $0xffff;
	v11 =	vsub.f32 v20, v19;
	[tilespmem:s21+$0x15000] =	vst v10  }
0xa3: {  	s22 =	sor.u32 $0x300, s31;
	v10 =	vld.idx.msk [tilespmem:v9+s1+$0x0], $0xffff  }
0xa4: {  	v18 =	vor.u32 $0x180, v1;
	v20 =	vsub.f32 v60, v23;
	[tilespmem:s22+$0x15000] =	vst v11;
	v11 =	vld.idx.msk [tilespmem:v63+s1+$0x0], $0xffff  }
0xa5: {  	p1 =	por !p1, !p1;
	s7 =	simm.s32 $0x4;
	v19 =	vor.u32 $0x180, v2;
	v8 =	vld.idx.msk [tilespmem:v13+s1+$0x0], $0xffff  }
0xa6: {  	s6 =	simm.s32 $0x200;
	s10 =	simm.s32 $0x80;
	s5 =	simm.s32 $0x14680;
	v9 =	vor.u32 $0x180, v5;
	v13 =	vld.idx.msk [tilespmem:v22+s1+$0x0], $0xffff;
	[tilespmem:s2+$0x100] =	vst v20;
	v21 =	vsub.f32 v21, v28;
	v20 =	vor.u32 $0x180, v0  }
.LBB2_3:
0xa7: {  	s21 =	sand.u32 $0x40, s10;
	s19 =	sand.u32 $0x780, s10;
	s26 =	sadd.s32 $0x40, s26;
	v15 =	vld.idx.msk [tilespmem:v15+s1+$0x0], $0xffff  }
0xa8: {  	v16 =	vsub.f32 v16, v17;
	v17 =	vor.u32 $0x180, v3;
	v22 =	vld [tilespmem:s26+$0x0];
	s17 =	sor.u32 $0x10, s21;
	s18 =	sor.u32 $0x20, s21;
	s22 =	sor.u32 $0x30, s21;
	[tilespmem:s13+$0x100] =	vst v21  }
0xa9: {  	s11 =	sor.u32 s19, s17;
	s20 =	sor.u32 s19, s18;
	s19 =	sor.u32 s19, s22;
	v18 =	vld.idx.msk [tilespmem:v18+s1+$0x0], $0xffff  }
0xaa: {  	s7 =	sadd.s32 $0x4, s7;
	v10 =	vsub.f32 v10, v11;
	v19 =	vld.idx.msk [tilespmem:v19+s1+$0x0], $0xffff;
	[tilespmem:s12+$0x100] =	vst v16  }
0xab: {  	s28 =	sor.u32 $0x380, s28;
	p2 =	slt.u32 s7, $0x4C;
	v11 =	vld.idx.msk [tilespmem:v20+s1+$0x0], $0xffff  }
0xac: {  	v8 =	vsub.f32 v8, v13;
	v9 =	vld.idx.msk [tilespmem:v9+s1+$0x0], $0xffff;
	[tilespmem:s28+$0x15000] =	vst v10  }
0xad: {  	v13 =	vor.u32 $0x100, v6;
	v12 =	vsub.f32 v15, v12;
	s28 =	sor.u32 $0x380, s31;
	v10 =	vld.idx.msk [tilespmem:v17+s1+$0x0], $0xffff  }
0xae: {  	s29 =	sor.u32 $0x380, s29;
	v15 =	vld [tilespmem:s11+$0x14600];
	[tilespmem:s28+$0x15000] =	vst v8  }
0xaf: {  	v16 =	vor.u32 $0x180, v4;
	v8 =	vld [tilespmem:s19+$0x14600];
	[tilespmem:s29+$0x15000] =	vst v12  }
0xb0: {  	v20 =	vor.u32 $0x280, v2;
	v12 =	vor.u32 $0x180, v6;
	v17 =	vld [tilespmem:s19+$0x13C00]  }
0xb1: {  	v23 =	vor.u32 $0x200, v1;
	v24 =	vor.u32 $0x200, v5;
	v25 =	vor.u32 $0x200, v0;
	v21 =	vld [tilespmem:s20+$0x14600]  }
0xb2: {  	v26 =	vor.u32 $0x200, v4;
	v18 =	vsub.f32 v18, v19;
	v19 =	vor.u32 $0x200, v2;
	v13 =	vld.idx.msk [tilespmem:v13+s1+$0x0], $0xffff  }
0xb3: {  	v10 =	vsub.f32 v10, v11;
	v11 =	vor.u32 $0x200, v3;
	v27 =	vld [tilespmem:s5+$0x0];
	v28 =	vshll.u32 v15, $0x3  }
0xb4: {  	v28 =	vand.u32 $0xFFFFFC00, v28;
	v29 =	vshll.u32 v8, $0x3;
	[tilespmem:s13+$0x180] =	vst v18;
	v16 =	vld.idx.msk [tilespmem:v16+s1+$0x0], $0xffff;
	v18 =	vor.u32 $0x180, v7  }
0xb5: {  	v8 =	vand.u32 $0x7F, v8;
	v30 =	vld [tilespmem:s20+$0x13C00];
	v31 =	vshll.u32 v17, $0x3;
	v29 =	vand.u32 $0xFFFFFC00, v29;
	[tilespmem:s12+$0x180] =	vst v10  }
0xb6: {  	v10 =	vshll.u32 v22, $0x3;
	v32 =	vshll.u32 v21, $0x3;
	v8 =	vor.u32 v8, v29;
	v23 =	vld.idx.msk [tilespmem:v23+s1+$0x0], $0xffff  }
0xb7: {  	v22 =	vand.u32 $0x7F, v22;
	v10 =	vand.u32 $0xFFFFFC00, v10;
	v29 =	vand.u32 $0xFFFFFC00, v31;
	v19 =	vld.idx.msk [tilespmem:v19+s1+$0x0], $0xffff  }
0xb8: {  	v10 =	vor.u32 v22, v10;
	v13 =	vsub.f32 v14, v13;
	v22 =	vand.u32 $0x7F, v27;
	v31 =	vld [tilespmem:s11+$0x13C00]  }
0xb9: {  	v14 =	vand.u32 $0x7F, v21;
	v21 =	vand.u32 $0xFFFFFC00, v32;
	v27 =	vshll.u32 v27, $0x3;
	v32 =	vld.idx.msk [tilespmem:v11+s1+$0x0], $0xffff  }
0xba: {  	v14 =	vor.u32 v14, v21;
	s11 =	simm.s32 $0x1;
	v9 =	vsub.f32 v16, v9;
	v11 =	vshll.u32 v30, $0x3;
	v16 =	vld.idx.msk [tilespmem:v25+s1+$0x0], $0xffff;
	[tilespmem:s30+$0x100] =	vst v13  }
0xbb: {  	s0 =	sadd.s32 $0x200, s0;
	s11 =	simm.s32 @!p1 $0x0;
	v13 =	vand.u32 $0xFFFFFC00, v27;
	v21 =	vand.u32 $0x7F, v30;
	v25 =	vand.u32 $0xFFFFFC00, v11;
	v18 =	vld.idx.msk [tilespmem:v18+s1+$0x0], $0xffff  }
0xbc: {  	s11 =	sshll.u32 s11, $0x6;
	v11 =	vor.u32 v22, v13;
	v21 =	vor.u32 v21, v25;
	[tilespmem:s2+$0x180] =	vst v9;
	v22 =	vld.idx.msk [tilespmem:v12+s1+$0x0], $0xffff  }
0xbd: {  	s28 =	sadd.s32 s11, s6;
	s6 =	smov.u32 s0;
	v12 =	vsub.f32 v23, v19;
	v9 =	vshll.u32 v31, $0x3;
	v19 =	vld.idx.msk [tilespmem:v26+s1+$0x0], $0xffff  }
0xbe: {  	s2 =	sand.u32 $0x3C00, s0;
	s12 =	sor.u32 $0x200, s28;
	s11 =	sadd.s32 $0x20, s28;
	v13 =	vand.u32 $0x7F, v31;
	v9 =	vand.u32 $0xFFFFFC00, v9;
	v23 =	vld.idx.msk [tilespmem:v24+s1+$0x0], $0xffff;
	v24 =	vor.u32 $0x280, v3  }
0xbf: {  	s31 =	sadd.s32 $0x30, s28;
	s19 =	sadd.s32 $0x15000, s2;
	v13 =	vor.u32 v13, v9;
	v9 =	vand.u32 $0x7F, v15;
	v25 =	vld.idx.msk [tilespmem:v14+s1+$0x0], $0xffff;
	[tilespmem:s12+$0x15000] =	vst v12  }
0xc0: {  	v26 =	vor.u32 $0x80, v8;
	s13 =	sor.u32 s21, s19;
	s2 =	sor.u32 s17, s19;
	s12 =	sor.u32 s18, s19;
	v15 =	vsub.f32 v32, v16;
	v12 =	vor.u32 v9, v28;
	v20 =	vld.idx.msk [tilespmem:v20+s1+$0x0], $0xffff  }
0xc1: {  	s17 =	sor.u32 $0x200, s11;
	v9 =	vor.u32 $0x180, v12;
	v16 =	vld.idx.msk [tilespmem:v21+s1+$0x0], $0xffff  }
0xc2: {  	v30 =	vor.u32 $0x280, v0;
	s18 =	sor.u32 s22, s19;
	v28 =	vor.u32 $0x80, v10;
	v27 =	vld.idx.msk [tilespmem:v10+s1+$0x0], $0xffff;
	[tilespmem:s17+$0x15000] =	vst v15;
	v15 =	vsub.f32 v18, v22  }
0xc3: {  	v22 =	vor.u32 $0x200, v7;
	v18 =	vld.idx.msk [tilespmem:v24+s1+$0x0], $0xffff  }
0xc4: {  	v17 =	vand.u32 $0x7F, v17;
	s29 =	sadd.s32 $0x10, s28;
	v19 =	vsub.f32 v19, v23;
	v23 =	vor.u32 $0x200, v6;
	v24 =	vld.idx.msk [tilespmem:v11+s1+$0x0], $0xffff;
	[tilespmem:s30+$0x180] =	vst v15;
	s30 =	smov.u32 s18  }
0xc5: {  	s17 =	sor.u32 $0x200, s29;
	v15 =	vor.u32 v17, v29;
	v31 =	vld.idx.msk [tilespmem:v12+s1+$0x0], $0xffff  }
0xc6: {  	v17 =	vld.idx.msk [tilespmem:v13+s1+$0x0], $0xffff;
	[tilespmem:s17+$0x15000] =	vst v19  }
0xc7: {  	v19 =	vor.u32 $0x280, v4;
	v29 =	vld.idx.msk [tilespmem:v30+s1+$0x0], $0xffff  }
0xc8: {  	v30 =	vor.u32 $0x280, v5;
	v22 =	vld.idx.msk [tilespmem:v22+s1+$0x0], $0xffff  }
0xc9: {  	v32 =	vor.u32 $0x80, v13;
	v16 =	vsub.f32 v16, v25;
	v25 =	vor.u32 $0x80, v21;
	v23 =	vld.idx.msk [tilespmem:v23+s1+$0x0], $0xffff  }
0xca: {  	v33 =	vor.u32 $0x80, v14;
	v24 =	vsub.f32 v27, v24;
	v27 =	vor.u32 $0x80, v12;
	v34 =	vld.idx.msk [tilespmem:v15+s1+$0x0], $0xffff  }
0xcb: {  	v35 =	vor.u32 $0x300, v3;
	[tilespmem:s12+$0x0] =	vst v16;
	v16 =	vld.idx.msk [tilespmem:v8+s1+$0x0], $0xffff  }
0xcc: {  	v36 =	vor.u32 $0x100, v10;
	v17 =	vsub.f32 v17, v31;
	v31 =	vor.u32 $0x300, v0;
	v19 =	vld.idx.msk [tilespmem:v19+s1+$0x0], $0xffff  }
0xcd: {  	v37 =	vor.u32 $0x280, v1;
	v18 =	vsub.f32 v18, v29;
	v30 =	vld.idx.msk [tilespmem:v30+s1+$0x0], $0xffff  }
0xce: {  	s17 =	sor.u32 $0x280, s11;
	[tilespmem:s2+$0x0] =	vst v17;
	v17 =	vld.idx.msk [tilespmem:v25+s1+$0x0], $0xffff  }
0xcf: {  	v29 =	vor.u32 $0x80, v15;
	v25 =	vor.u32 $0x80, v11;
	v27 =	vld.idx.msk [tilespmem:v27+s1+$0x0], $0xffff;
	[tilespmem:s17+$0x15000] =	vst v18;
	v18 =	vsub.f32 v22, v23  }
0xd0: {  	s17 =	sor.u32 $0x200, s31;
	v22 =	vld.idx.msk [tilespmem:v35+s1+$0x0], $0xffff  }
0xd1: {  	v16 =	vsub.f32 v34, v16;
	v23 =	vld.idx.msk [tilespmem:v31+s1+$0x0], $0xffff;
	[tilespmem:s17+$0x15000] =	vst v18;
	v18 =	vor.u32 $0x280, v7  }
0xd2: {  	v31 =	vor.u32 $0x280, v6;
	[tilespmem:s13+$0x0] =	vst v24;
	v24 =	vld.idx.msk [tilespmem:v37+s1+$0x0], $0xffff  }
0xd3: {  	v28 =	vld.idx.msk [tilespmem:v28+s1+$0x0], $0xffff;
	[tilespmem:s30+$0x0] =	vst v16;
	v16 =	vsub.f32 v19, v30  }
0xd4: {  	s17 =	sor.u32 $0x280, s29;
	v19 =	vor.u32 $0x100, v13;
	v29 =	vld.idx.msk [tilespmem:v29+s1+$0x0], $0xffff  }
0xd5: {  	v26 =	vld.idx.msk [tilespmem:v26+s1+$0x0], $0xffff;
	[tilespmem:s17+$0x15000] =	vst v16;
	v16 =	vor.u32 $0x380, v3;
	v3 =	vmov v21  }
0xd6: {  	v21 =	vor.u32 $0x380, v0;
	v0 =	vmov v14;
	v18 =	vld.idx.msk [tilespmem:v18+s1+$0x0], $0xffff  }
0xd7: {  	v14 =	vor.u32 $0x300, v4;
	v22 =	vsub.f32 v22, v23;
	v23 =	vld.idx.msk [tilespmem:v31+s1+$0x0], $0xffff  }
0xd8: {  	v30 =	vor.u32 $0x100, v11;
	s17 =	sor.u32 $0x300, s11;
	v20 =	vsub.f32 v24, v20;
	v24 =	vor.u32 $0x300, v5;
	v31 =	vld.idx.msk [tilespmem:v33+s1+$0x0], $0xffff  }
0xd9: {  	s18 =	sor.u32 $0x280, s28;
	v32 =	vld.idx.msk [tilespmem:v32+s1+$0x0], $0xffff;
	[tilespmem:s17+$0x15000] =	vst v22  }
0xda: {  	[tilespmem:s18+$0x15000] =	vst v20;
	v20 =	vor.u32 $0x300, v2;
	v16 =	vld.idx.msk [tilespmem:v16+s1+$0x0], $0xffff  }
0xdb: {  	v22 =	vsub.f32 v29, v26;
	v26 =	vor.u32 $0x100, v15;
	v21 =	vld.idx.msk [tilespmem:v21+s1+$0x0], $0xffff  }
0xdc: {  	v33 =	vor.u32 $0x300, v7;
	v29 =	vld.idx.msk [tilespmem:v14+s1+$0x0], $0xffff  }
0xdd: {  	v14 =	vsub.f32 v18, v23;
	[tilespmem:s30+$0x80] =	vst v22;
	v22 =	vor.u32 $0x300, v1;
	v24 =	vld.idx.msk [tilespmem:v24+s1+$0x0], $0xffff  }
0xde: {  	s17 =	sor.u32 $0x280, s31;
	v23 =	vor.u32 $0x300, v6;
	v17 =	vsub.f32 v17, v31;
	v18 =	vld.idx.msk [tilespmem:v25+s1+$0x0], $0xffff  }
0xdf: {  	v25 =	vsub.f32 v32, v27;
	v20 =	vld.idx.msk [tilespmem:v20+s1+$0x0], $0xffff;
	[tilespmem:s17+$0x15000] =	vst v14  }
0xe0: {  	v27 =	vor.u32 $0x100, v12;
	[tilespmem:s12+$0x80] =	vst v17;
	v14 =	vld.idx.msk [tilespmem:v26+s1+$0x0], $0xffff  }
0xe1: {  	v17 =	vor.u32 $0x380, v5;
	v16 =	vsub.f32 v16, v21;
	v5 =	vmov v12;
	[tilespmem:s2+$0x80] =	vst v25;
	v21 =	vld.idx.msk [tilespmem:v33+s1+$0x0], $0xffff  }
0xe2: {  	s11 =	sor.u32 $0x380, s11;
	v22 =	vld.idx.msk [tilespmem:v22+s1+$0x0], $0xffff  }
0xe3: {  	p1 =	por !p1, !p1;
	v12 =	vsub.f32 v29, v24;
	[tilespmem:s11+$0x15000] =	vst v16;
	v23 =	vld.idx.msk [tilespmem:v23+s1+$0x0], $0xffff  }
0xe4: {  	v16 =	vsub.f32 v28, v18;
	s11 =	sor.u32 $0x300, s29;
	v18 =	vld.idx.msk [tilespmem:v19+s1+$0x0], $0xffff;
	v19 =	vor.u32 $0x100, v3  }
0xe5: {  	v25 =	vor.u32 $0x100, v0;
	v24 =	vld.idx.msk [tilespmem:v27+s1+$0x0], $0xffff;
	[tilespmem:s11+$0x15000] =	vst v12  }
0xe6: {  	v26 =	vor.u32 $0x380, v1;
	v1 =	vmov v10;
	[tilespmem:s13+$0x80] =	vst v16;
	v12 =	vld.idx.msk [tilespmem:v17+s1+$0x0], $0xffff  }
0xe7: {  	v28 =	vor.u32 $0x380, v2;
	v2 =	vmov v11;
	v27 =	vld.idx.msk [tilespmem:v36+s1+$0x0], $0xffff  }
0xe8: {  	v10 =	vsub.f32 v22, v20;
	v20 =	vor.u32 $0x380, v7;
	v7 =	vmov v15;
	v29 =	vld.idx.msk [tilespmem:v30+s1+$0x0], $0xffff  }
0xe9: {  	s11 =	sor.u32 $0x300, s28;
	v22 =	vor.u32 $0x380, v6;
	v6 =	vmov v8;
	v11 =	vsub.f32 v21, v23;
	v16 =	vld.idx.msk [tilespmem:v19+s1+$0x0], $0xffff  }
.Ltmp4:
0xea: {  	v15 =	vor.u32 $0x380, v4;
	v4 =	vmov v13;
	v17 =	vld.idx.msk [tilespmem:v25+s1+$0x0], $0xffff;
	[tilespmem:s11+$0x15000] =	vst v10;
	s11 =	sor.u32 $0x300, s31;
	(pc) =	sbr.rel @p2 .LBB2_3-.Ltmp4, $4  }
0xeb: {  	v8 =	vsub.f32 v18, v24;
	v10 =	vld.idx.msk [tilespmem:v26+s1+$0x0], $0xffff;
	[tilespmem:s11+$0x15000] =	vst v11  }
0xec: {  	v18 =	vor.u32 $0x180, v1;
	v11 =	vld.idx.msk [tilespmem:v28+s1+$0x0], $0xffff  }
0xed: {  	v19 =	vor.u32 $0x180, v2;
	[tilespmem:s2+$0x100] =	vst v8;
	v8 =	vld.idx.msk [tilespmem:v20+s1+$0x0], $0xffff  }
0xee: {  	s10 =	sadd.s32 $0x40, s10;
	s5 =	sadd.s32 $0x40, s5;
	v21 =	vsub.f32 v27, v29;
	v20 =	vor.u32 $0x180, v0;
	v13 =	vld.idx.msk [tilespmem:v22+s1+$0x0], $0xffff  }
0xef: {  	v22 =	vor.u32 $0x100, v6;
	_ =	sdelay $0x1  }
0xf0: {  	v23 =	vor.u32 $0x180, v3  }
0xf1: {  	v16 =	vsub.f32 v16, v17  }
0xf2: {  	v48 =	vor.u32 $0x180, v4  }
0xf3: {  	[tilespmem:s12+$0x100] =	vst v16;
	v22 =	vld.idx.msk [tilespmem:v22+s1+$0x0], $0xffff  }
0xf4: {  	v16 =	vld.idx.msk [tilespmem:v20+s1+$0x0], $0xffff  }
0xf5: {  	v49 =	vld.idx.msk [tilespmem:v23+s1+$0x0], $0xffff  }
0xf6: {  	v50 =	vor.u32 $0x180, v7;
	v9 =	vld.idx.msk [tilespmem:v9+s1+$0x0], $0xffff  }
0xf7: {  	v24 =	vor.u32 $0x180, v6;
	[tilespmem:s13+$0x100] =	vst v21;
	v17 =	vld.idx.msk [tilespmem:v48+s1+$0x0], $0xffff  }
0xf8: {  	v51 =	vor.u32 $0x200, v3;
	v18 =	vld.idx.msk [tilespmem:v18+s1+$0x0], $0xffff;
	v14 =	vsub.f32 v14, v22  }
0xf9: {  	v52 =	vor.u32 $0x200, v0;
	v19 =	vld.idx.msk [tilespmem:v19+s1+$0x0], $0xffff  }
0xfa: {  	v53 =	vor.u32 $0x200, v4;
	v16 =	vsub.f32 v49, v16;
	[tilespmem:s30+$0x100] =	vst v14  }
0xfb: {  	v55 =	vor.u32 $0x200, v5;
	v54 =	vld.idx.msk [tilespmem:v50+s1+$0x0], $0xffff  }
0xfc: {  	v57 =	vor.u32 $0x200, v2;
	v9 =	vsub.f32 v17, v9;
	[tilespmem:s12+$0x180] =	vst v16;
	v24 =	vld.idx.msk [tilespmem:v24+s1+$0x0], $0xffff  }
0xfd: {  	v56 =	vor.u32 $0x200, v1;
	v21 =	vld.idx.msk [tilespmem:v51+s1+$0x0], $0xffff  }
0xfe: {  	v18 =	vsub.f32 v18, v19;
	[tilespmem:s2+$0x180] =	vst v9;
	v58 =	vld.idx.msk [tilespmem:v52+s1+$0x0], $0xffff  }
0xff: {  	v59 =	vor.u32 $0x200, v7;
	s0 =	simm.s32 $0x1;
	v14 =	vld.idx.msk [tilespmem:v53+s1+$0x0], $0xffff  }
0x100: {  	v60 =	vor.u32 $0x200, v6;
	s0 =	simm.s32 @!p1 $0x0;
	[tilespmem:s13+$0x180] =	vst v18;
	v61 =	vld.idx.msk [tilespmem:v55+s1+$0x0], $0xffff  }
0x101: {  	v62 =	vor.u32 $0x280, v3;
	s0 =	sshll.u32 s0, $0x6;
	v17 =	vld.idx.msk [tilespmem:v57+s1+$0x0], $0xffff;
	v20 =	vsub.f32 v54, v24  }
0x102: {  	v63 =	vor.u32 $0x280, v0;
	s0 =	sadd.s32 s0, s6;
	v16 =	vld.idx.msk [tilespmem:v56+s1+$0x0], $0xffff  }
0x103: {  	v28 =	vor.u32 $0x280, v4;
	s2 =	sadd.s32 $0x20, s0;
	v19 =	vsub.f32 v21, v58;
	[tilespmem:s30+$0x180] =	vst v20  }
0x104: {  	v29 =	vor.u32 $0x280, v5;
	s5 =	sor.u32 $0x200, s2;
	v9 =	vld.idx.msk [tilespmem:v59+s1+$0x0], $0xffff  }
0x105: {  	v30 =	vor.u32 $0x280, v2;
	v14 =	vsub.f32 v14, v61;
	[tilespmem:s5+$0x15000] =	vst v19;
	s30 =	sadd.s32 $0x10, s0;
	v22 =	vld.idx.msk [tilespmem:v60+s1+$0x0], $0xffff  }
0x106: {  	v32 =	vor.u32 $0x280, v1;
	v31 =	vld.idx.msk [tilespmem:v62+s1+$0x0], $0xffff;
	s7 =	sor.u32 $0x200, s30  }
0x107: {  	v16 =	vsub.f32 v16, v17;
	v33 =	vld.idx.msk [tilespmem:v63+s1+$0x0], $0xffff;
	[tilespmem:s7+$0x15000] =	vst v14  }
0x108: {  	v34 =	vor.u32 $0x280, v7;
	s10 =	sor.u32 $0x200, s0;
	v20 =	vld.idx.msk [tilespmem:v28+s1+$0x0], $0xffff  }
0x109: {  	v35 =	vor.u32 $0x280, v6;
	[tilespmem:s10+$0x15000] =	vst v16;
	v36 =	vld.idx.msk [tilespmem:v29+s1+$0x0], $0xffff  }
0x10a: {  	v37 =	vor.u32 $0x300, v3;
	s11 =	sadd.s32 $0x30, s0;
	v19 =	vld.idx.msk [tilespmem:v30+s1+$0x0], $0xffff;
	v9 =	vsub.f32 v9, v22  }
0x10b: {  	v38 =	vor.u32 $0x300, v0;
	v39 =	vld.idx.msk [tilespmem:v32+s1+$0x0], $0xffff;
	s7 =	sor.u32 $0x200, s11  }
0x10c: {  	v40 =	vor.u32 $0x300, v4;
	v14 =	vsub.f32 v31, v33;
	[tilespmem:s7+$0x15000] =	vst v9  }
0x10d: {  	v42 =	vor.u32 $0x300, v5;
	s12 =	sor.u32 $0x280, s2;
	v17 =	vld.idx.msk [tilespmem:v34+s1+$0x0], $0xffff  }
0x10e: {  	v44 =	vor.u32 $0x300, v2;
	[tilespmem:s12+$0x15000] =	vst v14;
	v43 =	vsub.f32 v20, v36;
	v41 =	vld.idx.msk [tilespmem:v35+s1+$0x0], $0xffff  }
0x10f: {  	v46 =	vor.u32 $0x300, v1;
	s13 =	sor.u32 $0x280, s30;
	v45 =	vld.idx.msk [tilespmem:v37+s1+$0x0], $0xffff  }
0x110: {  	v9 =	vsub.f32 v39, v19;
	v22 =	vld.idx.msk [tilespmem:v38+s1+$0x0], $0xffff;
	[tilespmem:s13+$0x15000] =	vst v43  }
0x111: {  	v47 =	vor.u32 $0x300, v7;
	s17 =	sor.u32 $0x280, s0;
	v18 =	vld.idx.msk [tilespmem:v40+s1+$0x0], $0xffff  }
0x112: {  	v48 =	vor.u32 $0x300, v6;
	[tilespmem:s17+$0x15000] =	vst v9;
	v50 =	vld.idx.msk [tilespmem:v42+s1+$0x0], $0xffff  }
0x113: {  	v16 =	vld.idx.msk [tilespmem:v44+s1+$0x0], $0xffff;
	v49 =	vsub.f32 v17, v41  }
0x114: {  	s18 =	sor.u32 $0x280, s11;
	v51 =	vor.u32 $0x380, v3;
	v52 =	vld.idx.msk [tilespmem:v46+s1+$0x0], $0xffff  }
0x115: {  	v53 =	vor.u32 $0x380, v0;
	[tilespmem:s18+$0x15000] =	vst v49  }
0x116: {  	v54 =	vor.u32 $0x380, v5;
	v20 =	vsub.f32 v45, v22;
	v14 =	vld.idx.msk [tilespmem:v47+s1+$0x0], $0xffff  }
0x117: {  	s19 =	sor.u32 $0x300, s2;
	v55 =	vor.u32 $0x380, v1;
	v19 =	vld.idx.msk [tilespmem:v48+s1+$0x0], $0xffff  }
0x118: {  	v15 =	vld.idx.msk [tilespmem:v15+s1+$0x0], $0xffff;
	v56 =	vor.u32 $0x380, v2;
	[tilespmem:s19+$0x15000] =	vst v20;
	v17 =	vsub.f32 v18, v50  }
0x119: {  	s20 =	sor.u32 $0x300, s30;
	v59 =	vor.u32 $0x380, v4;
	v9 =	vsub.f32 v52, v16;
	v3 =	vld.idx.msk [tilespmem:v51+s1+$0x0], $0xffff  }
0x11a: {  	s21 =	sor.u32 $0x300, s0;
	v57 =	vor.u32 $0x380, v7;
	v0 =	vld.idx.msk [tilespmem:v53+s1+$0x0], $0xffff;
	[tilespmem:s20+$0x15000] =	vst v17  }
0x11b: {  	v58 =	vor.u32 $0x380, v6;
	[tilespmem:s21+$0x15000] =	vst v9;
	v5 =	vld.idx.msk [tilespmem:v54+s1+$0x0], $0xffff  }
0x11c: {  	v1 =	vld.idx.msk [tilespmem:v55+s1+$0x0], $0xffff;
	v14 =	vsub.f32 v14, v19  }
0x11d: {  	s22 =	sor.u32 $0x300, s11;
	v2 =	vld.idx.msk [tilespmem:v56+s1+$0x0], $0xffff  }
0x11e: {  	v4 =	vld.idx.msk [tilespmem:v59+s1+$0x0], $0xffff;
	[tilespmem:s22+$0x15000] =	vst v14  }
0x11f: {  	v8 =	vsub.f32 v8, v13;
	v7 =	vld.idx.msk [tilespmem:v57+s1+$0x0], $0xffff  }
0x120: {  	s26 =	sor.u32 $0x380, s28;
	s28 =	sor.u32 $0x380, s31;
	v61 =	vsub.f32 v15, v12;
	v6 =	vld.idx.msk [tilespmem:v58+s1+$0x0], $0xffff  }
0x121: {  	[tilespmem:s28+$0x15000] =	vst v8;
	s10 =	sor.u32 $0x380, s29;
	v60 =	vsub.f32 v10, v11  }
0x122: {  	[tilespmem:s10+$0x15000] =	vst v61;
	v0 =	vsub.f32 v3, v0  }
0x123: {  	s2 =	sor.u32 $0x380, s2;
	[tilespmem:s26+$0x15000] =	vst v60;
	v1 =	vsub.f32 v1, v2  }
0x124: {  	s0 =	sor.u32 $0x380, s0;
	[tilespmem:s2+$0x15000] =	vst v0;
	v63 =	vsub.f32 v4, v5;
	s2 =	smul.u32 $0xA00, s23  }
0x125: {  	p1 =	seq.s32 s23, $0x3E;
	s5 =	sor.u32 $0x380, s30;
	[tilespmem:s0+$0x15000] =	vst v1;
	v62 =	vsub.f32 v7, v6  }
0x126: {  	s29 =	sor.u32 $0x380, s11;
	[tilespmem:s5+$0x15000] =	vst v63;
	s0 =	sadd.s32 @!p1 s2, s9  }
0x127: {  	s31 =	simm.s32 $0x15000;
	s30 =	sadd.s32 s2, s8;
	s0 =	sshrl.u32 @!p1 s0, $0x3;
	[tilespmem:s29+$0x15000] =	vst v62  }
0x128: {  	[hbm4b:s30+s1] =	stream.linear.scatter [tilespmem:s31], [sflag:$0x5], $0x2800, $0x38;
	[tilespmem:$0x1A000] =	vst v63  }
0x129: {  	s2 =	simm.s32 @!p1 $0x0;
	s5 =	simm.s32 @!p1 $0x13C00;
	s0 =	sadd.s32 @!p1 s4, s0  }
0x12a: {  	[tilespmem:s5], [sflag:$0x1] =	stream.linear.gather @!p1 [hbm4b:s0+s2], $0x500, $0x38;
	[tilespmem:$0x1A000] =	vst v63  }
0x12b: {  	s0 =	sadd.s32 @!p1 $0x9C40, s0;
	s5 =	simm.s32 @!p1 $0x14600  }
0x12c: {  	[tilespmem:s5], [sflag:$0x3] =	stream.linear.gather @!p1 [hbm4b:s0+s2], $0x500, $0x38;
	[tilespmem:$0x1A000] =	vst v63  }
0x12d: {  	s0 =	sadd.s32 @!p1 $0xFFFFFFFF, s25  }
0x12e: {  	p2 =	sgt.u32 @!p1 s0, $0x7C  }
.Ltmp5:
0x12f: {  	p1 =	por p1, !p2;
	(pc) =	sbr.rel @p0 .LBB2_8-.Ltmp5, $4  }
0x130: {  	s0 =	simm.s32 @p1 $0x6  }
0x131: {  	_ =	swait.ge @p1 [sflag:s0], $0x2800  }
0x132: {  	[sflag:s0] =	ssyncset.done @p1 $0x0  }
0x133: {  	[sflag:s0] =	ssyncadd.s32 @p1 $0xFFFFD800  }
0x134: {  	s0 =	simm.s32 $0x2  }
0x135: {  	_ =	swait.ge [sflag:s0], $0x500  }
0x136: {  	[sflag:s0] =	ssyncset.done $0x0  }
0x137: {  	s13 =	simm.s32 $0x4;
	[sflag:s0] =	ssyncadd.s32 $0xFFFFFB00  }
0x138: {  	s2 =	simm.s32 $0x0;
	_ =	swait.ge [sflag:s13], $0x500  }
0x139: {  	s17 =	simm.s32 $0x14100;
	s5 =	sand.u32 $0x40, s2;
	[sflag:s13] =	ssyncset.done $0x0  }
0x13a: {  	s7 =	sand.u32 $0x780, s2;
	s10 =	sor.u32 $0x10, s5;
	[sflag:s13] =	ssyncadd.s32 $0xFFFFFB00  }
0x13b: {  	s18 =	sor.u32 s7, s10;
	v0 =	vld [tilespmem:s17+$0x0]  }
0x13c: {  	s6 =	simm.s32 $0x14B00;
	v1 =	vld [tilespmem:s18+$0x14B00]  }
0x13d: {  	v2 =	vld [tilespmem:s6+$0x0]  }
0x13e: {  	v3 =	vld [tilespmem:s18+$0x14100]  }
0x13f: {  	s19 =	sor.u32 $0x20, s5  }
0x140: {  	s11 =	sor.u32 s7, s19  }
0x141: {  	v5 =	vld [tilespmem:s11+$0x14B00];
	v4 =	vshll.u32 v0, $0x3;
	v6 =	vshll.u32 v1, $0x3;
	v0 =	vand.u32 $0x7F, v0  }
0x142: {  	s20 =	sor.u32 $0x30, s5;
	v7 =	vld [tilespmem:s11+$0x14100];
	v1 =	vand.u32 $0x7F, v1;
	v4 =	vand.u32 $0xFFFFFC00, v4;
	v6 =	vand.u32 $0xFFFFFC00, v6  }
0x143: {  	s7 =	sor.u32 s7, s20;
	v9 =	vor.u32 v0, v4;
	v0 =	vshll.u32 v2, $0x3;
	v4 =	vshll.u32 v3, $0x3  }
0x144: {  	v11 =	vld [tilespmem:s7+$0x14100];
	v3 =	vand.u32 $0x7F, v3;
	v12 =	vor.u32 v1, v6;
	v4 =	vand.u32 $0xFFFFFC00, v4  }
0x145: {  	v1 =	vld [tilespmem:s7+$0x14B00];
	v2 =	vand.u32 $0x7F, v2;
	v0 =	vand.u32 $0xFFFFFC00, v0;
	v8 =	vor.u32 v3, v4  }
0x146: {  	v3 =	vshll.u32 v5, $0x3;
	v10 =	vor.u32 v2, v0  }
0x147: {  	v0 =	vand.u32 $0x7F, v5;
	v2 =	vand.u32 $0xFFFFFC00, v3;
	v3 =	vshll.u32 v7, $0x3  }
0x148: {  	v14 =	vor.u32 v0, v2;
	v0 =	vand.u32 $0x7F, v7;
	v2 =	vand.u32 $0xFFFFFC00, v3;
	v3 =	vld.idx.msk [tilespmem:v9+s1+$0x0], $0xffff  }
0x149: {  	v4 =	vshll.u32 v11, $0x3;
	v15 =	vor.u32 v0, v2;
	v0 =	vld.idx.msk [tilespmem:v12+s1+$0x0], $0xffff  }
0x14a: {  	v5 =	vand.u32 $0x7F, v11;
	v4 =	vand.u32 $0xFFFFFC00, v4;
	v2 =	vshll.u32 v1, $0x3;
	v6 =	vld.idx.msk [tilespmem:v8+s1+$0x0], $0xffff  }
0x14b: {  	v13 =	vor.u32 v5, v4;
	v1 =	vand.u32 $0x7F, v1;
	v2 =	vand.u32 $0xFFFFFC00, v2;
	v7 =	vld.idx.msk [tilespmem:v10+s1+$0x0], $0xffff  }
0x14c: {  	v11 =	vor.u32 v1, v2  }
0x14d: {  	v2 =	vor.u32 $0x80, v12;
	v1 =	vld.idx.msk [tilespmem:v14+s1+$0x0], $0xffff  }
0x14e: {  	s2 =	sand.u32 $0x3C00, s2;
	v5 =	vor.u32 $0x80, v9;
	v4 =	vld.idx.msk [tilespmem:v15+s1+$0x0], $0xffff  }
0x14f: {  	s21 =	sadd.s32 $0x17800, s2;
	v16 =	vor.u32 $0x80, v8;
	v0 =	vsub.f32 v6, v0  }
0x150: {  	s2 =	sor.u32 s10, s21;
	v3 =	vsub.f32 v3, v7;
	v6 =	vld.idx.msk [tilespmem:v13+s1+$0x0], $0xffff;
	v7 =	vor.u32 $0x80, v10  }
0x151: {  	s12 =	sor.u32 s5, s21;
	v17 =	vor.u32 $0x80, v15;
	v18 =	vld.idx.msk [tilespmem:v11+s1+$0x0], $0xffff;
	[tilespmem:s2+$0x0] =	vst v0  }
0x152: {  	v0 =	vor.u32 $0x80, v14;
	[tilespmem:s12+$0x0] =	vst v3;
	v2 =	vld.idx.msk [tilespmem:v2+s1+$0x0], $0xffff  }
0x153: {  	v1 =	vsub.f32 v4, v1;
	v3 =	vld.idx.msk [tilespmem:v5+s1+$0x0], $0xffff  }
0x154: {  	s22 =	sor.u32 s19, s21;
	v4 =	vld.idx.msk [tilespmem:v16+s1+$0x0], $0xffff  }
0x155: {  	[tilespmem:s22+$0x0] =	vst v1;
	v1 =	vor.u32 $0x80, v13;
	v5 =	vld.idx.msk [tilespmem:v7+s1+$0x0], $0xffff  }
0x156: {  	v7 =	vor.u32 $0x80, v11;
	v16 =	vld.idx.msk [tilespmem:v17+s1+$0x0], $0xffff  }
0x157: {  	v6 =	vsub.f32 v6, v18;
	v17 =	vor.u32 $0x100, v8;
	v0 =	vld.idx.msk [tilespmem:v0+s1+$0x0], $0xffff  }
0x158: {  	s0 =	sor.u32 s20, s21;
	v18 =	vor.u32 $0x100, v9  }
0x159: {  	[tilespmem:s0+$0x0] =	vst v6;
	v6 =	vor.u32 $0x100, v10;
	v2 =	vsub.f32 v4, v2  }
0x15a: {  	v4 =	vor.u32 $0x100, v15;
	v1 =	vld.idx.msk [tilespmem:v1+s1+$0x0], $0xffff;
	v3 =	vsub.f32 v3, v5  }
0x15b: {  	v5 =	vld.idx.msk [tilespmem:v7+s1+$0x0], $0xffff;
	[tilespmem:s2+$0x80] =	vst v2;
	v2 =	vor.u32 $0x100, v14  }
0x15c: {  	v7 =	vor.u32 $0x100, v12;
	v0 =	vsub.f32 v16, v0;
	v16 =	vld.idx.msk [tilespmem:v17+s1+$0x0], $0xffff;
	[tilespmem:s12+$0x80] =	vst v3  }
0x15d: {  	v3 =	vld.idx.msk [tilespmem:v18+s1+$0x0], $0xffff  }
0x15e: {  	s26 =	simm.s32 $0x40;
	[tilespmem:s22+$0x80] =	vst v0;
	v0 =	vld.idx.msk [tilespmem:v6+s1+$0x0], $0xffff  }
0x15f: {  	s6 =	sand.u32 $0x40, s26;
	v4 =	vld.idx.msk [tilespmem:v4+s1+$0x0], $0xffff  }
0x160: {  	s13 =	sand.u32 $0x780, s26;
	s10 =	sor.u32 $0x10, s6;
	v2 =	vld.idx.msk [tilespmem:v2+s1+$0x0], $0xffff  }
0x161: {  	s17 =	sor.u32 s13, s10;
	s7 =	sor.u32 $0x30, s6;
	v1 =	vsub.f32 v1, v5;
	v5 =	vld.idx.msk [tilespmem:v7+s1+$0x0], $0xffff;
	v7 =	vor.u32 $0x180, v9  }
0x162: {  	s11 =	sor.u32 $0x20, s6;
	v31 =	vld [tilespmem:s17+$0x14100];
	s18 =	sor.u32 s13, s7;
	v17 =	vor.u32 $0x180, v10  }
0x163: {  	s13 =	sor.u32 s13, s11;
	v19 =	vld [tilespmem:s18+$0x14100];
	[tilespmem:s0+$0x80] =	vst v1;
	v1 =	vor.u32 $0x180, v14;
	v0 =	vsub.f32 v3, v0  }
0x164: {  	s25 =	simm.s32 $0x14140;
	v20 =	vld [tilespmem:s13+$0x14B00];
	v3 =	vor.u32 $0x180, v12  }
0x165: {  	v18 =	vld [tilespmem:s25+$0x0];
	v6 =	vor.u32 $0x100, v13;
	[tilespmem:s12+$0x100] =	vst v0;
	v0 =	vsub.f32 v4, v2  }
0x166: {  	v4 =	vsub.f32 v16, v5;
	v5 =	vld.idx.msk [tilespmem:v7+s1+$0x0], $0xffff  }
0x167: {  	v2 =	vor.u32 $0x180, v15;
	v7 =	vld.idx.msk [tilespmem:v17+s1+$0x0], $0xffff;
	[tilespmem:s22+$0x100] =	vst v0  }
0x168: {  	v17 =	vor.u32 $0x180, v8;
	[tilespmem:s2+$0x100] =	vst v4;
	v0 =	vld.idx.msk [tilespmem:v1+s1+$0x0], $0xffff  }
0x169: {  	v1 =	vld.idx.msk [tilespmem:v3+s1+$0x0], $0xffff;
	v3 =	vor.u32 $0x100, v11  }
0x16a: {  	v6 =	vld.idx.msk [tilespmem:v6+s1+$0x0], $0xffff  }
0x16b: {  	v16 =	vld [tilespmem:s18+$0x14B00]  }
0x16c: {  	v2 =	vld.idx.msk [tilespmem:v2+s1+$0x0], $0xffff  }
0x16d: {  	v21 =	vor.u32 $0x200, v9;
	v17 =	vld.idx.msk [tilespmem:v17+s1+$0x0], $0xffff  }
0x16e: {  	v22 =	vor.u32 $0x200, v10;
	v3 =	vld.idx.msk [tilespmem:v3+s1+$0x0], $0xffff  }
0x16f: {  	s31 =	simm.s32 $0x14B40;
	v23 =	vor.u32 $0x200, v15;
	v4 =	vld [tilespmem:s17+$0x14B00];
	v5 =	vsub.f32 v5, v7  }
0x170: {  	v25 =	vor.u32 $0x200, v14;
	v7 =	vld [tilespmem:s31+$0x0]  }
0x171: {  	v27 =	vor.u32 $0x200, v12;
	v28 =	vor.u32 $0x200, v8;
	[tilespmem:s12+$0x180] =	vst v5;
	v5 =	vld [tilespmem:s13+$0x14100];
	v0 =	vsub.f32 v2, v0  }
0x172: {  	v26 =	vor.u32 $0x180, v11;
	v30 =	vshll.u32 v18, $0x3;
	v21 =	vld.idx.msk [tilespmem:v21+s1+$0x0], $0xffff;
	v2 =	vor.u32 $0x180, v13  }
0x173: {  	v22 =	vld.idx.msk [tilespmem:v22+s1+$0x0], $0xffff;
	v17 =	vsub.f32 v17, v1;
	[tilespmem:s22+$0x180] =	vst v0;
	v0 =	vshll.u32 v20, $0x3;
	v3 =	vsub.f32 v6, v3  }
0x174: {  	v6 =	vand.u32 $0x7F, v18;
	v18 =	vand.u32 $0x7F, v20;
	v0 =	vand.u32 $0xFFFFFC00, v0;
	v20 =	vld.idx.msk [tilespmem:v23+s1+$0x0], $0xffff  }
0x175: {  	p0 =	por $0x0, $0x0;
	s5 =	simm.s32 $0x1;
	v24 =	vor.u32 $0x280, v10;
	v1 =	vand.u32 $0xFFFFFC00, v30;
	[tilespmem:s2+$0x180] =	vst v17;
	v0 =	vor.u32 v18, v0;
	v18 =	vld.idx.msk [tilespmem:v25+s1+$0x0], $0xffff  }
0x176: {  	s5 =	simm.s32 @!p0 $0x0;
	v56 =	vor.u32 $0x280, v15;
	v23 =	vshll.u32 v5, $0x3;
	v1 =	vor.u32 v6, v1;
	v17 =	vld.idx.msk [tilespmem:v28+s1+$0x0], $0xffff;
	[tilespmem:s0+$0x100] =	vst v3  }
0x177: {  	s5 =	sshll.u32 s5, $0x6;
	v3 =	vand.u32 $0x7F, v5;
	v5 =	vand.u32 $0xFFFFFC00, v23;
	v23 =	vld.idx.msk [tilespmem:v2+s1+$0x0], $0xffff;
	v2 =	vshll.u32 v7, $0x3  }
0x178: {  	s26 =	sadd.s32 $0x0, s5;
	v3 =	vor.u32 v3, v5;
	v6 =	vld.idx.msk [tilespmem:v26+s1+$0x0], $0xffff;
	v5 =	vand.u32 $0x7F, v7;
	v7 =	vsub.f32 v21, v22  }
0x179: {  	s18 =	sor.u32 $0x200, s26;
	v29 =	vshll.u32 v4, $0x3;
	v4 =	vand.u32 $0x7F, v4;
	v22 =	vld.idx.msk [tilespmem:v27+s1+$0x0], $0xffff;
	v2 =	vand.u32 $0xFFFFFC00, v2  }
0x17a: {  	v21 =	vand.u32 $0xFFFFFC00, v29;
	v2 =	vor.u32 v5, v2;
	v5 =	vshll.u32 v31, $0x3;
	[tilespmem:s18+$0x17800] =	vst v7;
	v58 =	vld.idx.msk [tilespmem:v0+s1+$0x0], $0xffff  }
0x17b: {  	s5 =	sadd.s32 $0x20, s26;
	v7 =	vand.u32 $0xFFFFFC00, v5;
	v5 =	vor.u32 v4, v21;
	v21 =	vld.idx.msk [tilespmem:v24+s1+$0x0], $0xffff;
	v18 =	vsub.f32 v20, v18  }
0x17c: {  	s19 =	sor.u32 $0x200, s5;
	v61 =	vor.u32 $0x200, v13;
	v59 =	vld.idx.msk [tilespmem:v1+s1+$0x0], $0xffff  }
0x17d: {  	v57 =	vand.u32 $0x7F, v31;
	v60 =	vshll.u32 v19, $0x3;
	v63 =	vor.u32 $0x200, v11;
	v20 =	vld.idx.msk [tilespmem:v3+s1+$0x0], $0xffff;
	[tilespmem:s19+$0x17800] =	vst v18  }
0x17e: {  	v19 =	vand.u32 $0x7F, v19;
	v4 =	vor.u32 v57, v7;
	v23 =	vsub.f32 v23, v6;
	v25 =	vld.idx.msk [tilespmem:v56+s1+$0x0], $0xffff  }
0x17f: {  	v26 =	vand.u32 $0xFFFFFC00, v60;
	v7 =	vshll.u32 v16, $0x3;
	v18 =	vor.u32 $0x280, v14;
	v62 =	vld.idx.msk [tilespmem:v2+s1+$0x0], $0xffff  }
0x180: {  	v36 =	vand.u32 $0xFFFFFC00, v7;
	v7 =	vor.u32 v19, v26;
	[tilespmem:s0+$0x180] =	vst v23;
	v32 =	vld.idx.msk [tilespmem:v5+s1+$0x0], $0xffff  }
0x181: {  	v16 =	vand.u32 $0x7F, v16;
	v19 =	vor.u32 $0x280, v8;
	v37 =	vld.idx.msk [tilespmem:v61+s1+$0x0], $0xffff  }
0x182: {  	v6 =	vor.u32 v16, v36;
	v38 =	vld.idx.msk [tilespmem:v63+s1+$0x0], $0xffff  }
0x183: {  	s28 =	sadd.s32 $0x10, s26;
	v17 =	vsub.f32 v17, v22;
	v23 =	vor.u32 $0x280, v12;
	v16 =	vld.idx.msk [tilespmem:v4+s1+$0x0], $0xffff  }
0x184: {  	s21 =	sor.u32 $0x200, s28;
	v48 =	vor.u32 $0x80, v0;
	s0 =	simm.s32 $0x200;
	v18 =	vld.idx.msk [tilespmem:v18+s1+$0x0], $0xffff  }
0x185: {  	v43 =	vor.u32 $0x80, v1;
	[tilespmem:s21+$0x17800] =	vst v17;
	s20 =	sand.u32 $0x3C00, s0;
	v40 =	vld.idx.msk [tilespmem:v7+s1+$0x0], $0xffff  }
0x186: {  	v53 =	vor.u32 $0x80, v2;
	s22 =	sadd.s32 $0x17800, s20;
	v17 =	vsub.f32 v20, v58;
	v19 =	vld.idx.msk [tilespmem:v19+s1+$0x0], $0xffff  }
0x187: {  	v22 =	vor.u32 $0x80, v3;
	s12 =	sor.u32 s11, s22;
	v20 =	vld.idx.msk [tilespmem:v6+s1+$0x0], $0xffff;
	v24 =	vsub.f32 v59, v62  }
0x188: {  	v46 =	vor.u32 $0x280, v13;
	s13 =	sor.u32 s6, s22;
	[tilespmem:s12+$0x0] =	vst v17;
	v23 =	vld.idx.msk [tilespmem:v23+s1+$0x0], $0xffff  }
0x189: {  	s30 =	sadd.s32 $0x30, s26;
	v47 =	vor.u32 $0x280, v11;
	v26 =	vsub.f32 v37, v38;
	v51 =	vld.idx.msk [tilespmem:v48+s1+$0x0], $0xffff;
	[tilespmem:s13+$0x0] =	vst v24  }
0x18a: {  	v41 =	vor.u32 $0x300, v15;
	s11 =	sor.u32 $0x200, s30;
	v16 =	vsub.f32 v16, v32;
	v18 =	vsub.f32 v25, v18;
	v25 =	vld.idx.msk [tilespmem:v43+s1+$0x0], $0xffff  }
0x18b: {  	v42 =	vor.u32 $0x300, v14;
	s2 =	sor.u32 s10, s22;
	[tilespmem:s11+$0x17800] =	vst v26;
	v56 =	vld.idx.msk [tilespmem:v53+s1+$0x0], $0xffff  }
0x18c: {  	v39 =	vor.u32 $0x80, v5;
	[tilespmem:s2+$0x0] =	vst v16;
	v16 =	vld.idx.msk [tilespmem:v22+s1+$0x0], $0xffff  }
0x18d: {  	s31 =	sor.u32 $0x280, s5;
	v17 =	vor.u32 $0x280, v9;
	v26 =	vld.idx.msk [tilespmem:v46+s1+$0x0], $0xffff  }
0x18e: {  	v44 =	vor.u32 $0x80, v7;
	v24 =	vld.idx.msk [tilespmem:v47+s1+$0x0], $0xffff;
	[tilespmem:s31+$0x17800] =	vst v18  }
0x18f: {  	v20 =	vsub.f32 v40, v20;
	v18 =	vor.u32 $0x80, v6;
	v27 =	vld.idx.msk [tilespmem:v41+s1+$0x0], $0xffff  }
0x190: {  	v52 =	vor.u32 $0x300, v12;
	s29 =	sor.u32 s7, s22;
	v45 =	vld.idx.msk [tilespmem:v42+s1+$0x0], $0xffff  }
0x191: {  	v22 =	vld.idx.msk [tilespmem:v39+s1+$0x0], $0xffff;
	[tilespmem:s29+$0x0] =	vst v20;
	v20 =	vor.u32 $0x80, v4  }
0x192: {  	v61 =	vor.u32 $0x100, v3;
	v17 =	vld.idx.msk [tilespmem:v17+s1+$0x0], $0xffff;
	v19 =	vsub.f32 v19, v23  }
0x193: {  	s18 =	sor.u32 $0x280, s28;
	v14 =	vor.u32 $0x380, v14;
	v49 =	vld.idx.msk [tilespmem:v44+s1+$0x0], $0xffff  }
0x194: {  	v15 =	vor.u32 $0x380, v15;
	[tilespmem:s18+$0x17800] =	vst v19;
	v16 =	vsub.f32 v16, v51;
	v18 =	vld.idx.msk [tilespmem:v18+s1+$0x0], $0xffff  }
0x195: {  	v50 =	vor.u32 $0x300, v8;
	v55 =	vld.idx.msk [tilespmem:v52+s1+$0x0], $0xffff;
	v27 =	vsub.f32 v27, v45  }
0x196: {  	s17 =	sor.u32 $0x300, s5;
	v23 =	vor.u32 $0x300, v10;
	v20 =	vld.idx.msk [tilespmem:v20+s1+$0x0], $0xffff;
	[tilespmem:s12+$0x80] =	vst v16  }
0x197: {  	v19 =	vor.u32 $0x100, v7;
	v16 =	vld.idx.msk [tilespmem:v61+s1+$0x0], $0xffff;
	[tilespmem:s17+$0x17800] =	vst v27  }
0x198: {  	v54 =	vor.u32 $0x300, v9;
	v27 =	vld.idx.msk [tilespmem:v14+s1+$0x0], $0xffff;
	v14 =	vsub.f32 v17, v21  }
0x199: {  	s19 =	sor.u32 $0x280, s26;
	v15 =	vld.idx.msk [tilespmem:v15+s1+$0x0], $0xffff;
	v21 =	vor.u32 $0x300, v13;
	v18 =	vsub.f32 v49, v18  }
0x19a: {  	v59 =	vor.u32 $0x100, v2;
	v17 =	vld.idx.msk [tilespmem:v50+s1+$0x0], $0xffff;
	[tilespmem:s19+$0x17800] =	vst v14;
	v14 =	vsub.f32 v26, v24  }
0x19b: {  	v57 =	vor.u32 $0x300, v11;
	s20 =	sor.u32 $0x280, s30;
	[tilespmem:s29+$0x80] =	vst v18;
	v18 =	vld.idx.msk [tilespmem:v23+s1+$0x0], $0xffff  }
0x19c: {  	v58 =	vor.u32 $0x100, v4;
	v24 =	vsub.f32 v25, v56;
	[tilespmem:s20+$0x17800] =	vst v14;
	v14 =	vld.idx.msk [tilespmem:v19+s1+$0x0], $0xffff  }
0x19d: {  	v23 =	vor.u32 $0x100, v5;
	v19 =	vsub.f32 v20, v22;
	v22 =	vld.idx.msk [tilespmem:v54+s1+$0x0], $0xffff  }
0x19e: {  	v62 =	vor.u32 $0x100, v0;
	[tilespmem:s13+$0x80] =	vst v24;
	v20 =	vld.idx.msk [tilespmem:v21+s1+$0x0], $0xffff  }
0x19f: {  	v21 =	vor.u32 $0x100, v1;
	v28 =	vld.idx.msk [tilespmem:v59+s1+$0x0], $0xffff  }
0x1a0: {  	v12 =	vor.u32 $0x380, v12;
	[tilespmem:s2+$0x80] =	vst v19;
	v19 =	vld.idx.msk [tilespmem:v57+s1+$0x0], $0xffff  }
0x1a1: {  	v9 =	vor.u32 $0x380, v9;
	v17 =	vsub.f32 v17, v55;
	v60 =	vld.idx.msk [tilespmem:v58+s1+$0x0], $0xffff  }
0x1a2: {  	s21 =	sor.u32 $0x300, s28;
	v63 =	vor.u32 $0x380, v10;
	v15 =	vsub.f32 v15, v27;
	v23 =	vld.idx.msk [tilespmem:v23+s1+$0x0], $0xffff  }
0x1a3: {  	s5 =	sor.u32 $0x380, s5;
	v13 =	vor.u32 $0x380, v13;
	[tilespmem:s21+$0x17800] =	vst v17;
	v17 =	vld.idx.msk [tilespmem:v62+s1+$0x0], $0xffff;
	v10 =	vsub.f32 v22, v18  }
0x1a4: {  	s22 =	sor.u32 $0x300, s26;
	[tilespmem:s5+$0x17800] =	vst v15;
	v22 =	vor.u32 $0x380, v11;
	v21 =	vld.idx.msk [tilespmem:v21+s1+$0x0], $0xffff  }
0x1a5: {  	v15 =	vor.u32 $0x380, v8;
	v12 =	vld.idx.msk [tilespmem:v12+s1+$0x0], $0xffff;
	v11 =	vsub.f32 v20, v19;
	[tilespmem:s22+$0x17800] =	vst v10  }
0x1a6: {  	s31 =	sor.u32 $0x300, s30;
	v10 =	vld.idx.msk [tilespmem:v9+s1+$0x0], $0xffff  }
0x1a7: {  	v18 =	vor.u32 $0x180, v1;
	v20 =	vsub.f32 v60, v23;
	[tilespmem:s31+$0x17800] =	vst v11;
	v11 =	vld.idx.msk [tilespmem:v63+s1+$0x0], $0xffff  }
0x1a8: {  	p0 =	por !p0, !p0;
	s7 =	simm.s32 $0x4;
	v19 =	vor.u32 $0x180, v2;
	v8 =	vld.idx.msk [tilespmem:v13+s1+$0x0], $0xffff  }
0x1a9: {  	s10 =	simm.s32 $0x80;
	s6 =	simm.s32 $0x200;
	s5 =	simm.s32 $0x14B80;
	v9 =	vor.u32 $0x180, v5;
	v13 =	vld.idx.msk [tilespmem:v22+s1+$0x0], $0xffff;
	[tilespmem:s2+$0x100] =	vst v20;
	v21 =	vsub.f32 v21, v28;
	v20 =	vor.u32 $0x180, v0  }
.LBB2_6:
0x1aa: {  	s21 =	sand.u32 $0x40, s10;
	s19 =	sand.u32 $0x780, s10;
	s25 =	sadd.s32 $0x40, s25;
	v15 =	vld.idx.msk [tilespmem:v15+s1+$0x0], $0xffff  }
0x1ab: {  	v16 =	vsub.f32 v16, v17;
	v17 =	vor.u32 $0x180, v3;
	v22 =	vld [tilespmem:s25+$0x0];
	s17 =	sor.u32 $0x10, s21;
	s18 =	sor.u32 $0x20, s21;
	s22 =	sor.u32 $0x30, s21;
	[tilespmem:s13+$0x100] =	vst v21  }
0x1ac: {  	s11 =	sor.u32 s19, s17;
	s20 =	sor.u32 s19, s18;
	s19 =	sor.u32 s19, s22;
	v18 =	vld.idx.msk [tilespmem:v18+s1+$0x0], $0xffff  }
0x1ad: {  	s7 =	sadd.s32 $0x4, s7;
	v10 =	vsub.f32 v10, v11;
	v19 =	vld.idx.msk [tilespmem:v19+s1+$0x0], $0xffff;
	[tilespmem:s12+$0x100] =	vst v16  }
0x1ae: {  	s26 =	sor.u32 $0x380, s26;
	p1 =	slt.u32 s7, $0x4C;
	v11 =	vld.idx.msk [tilespmem:v20+s1+$0x0], $0xffff  }
0x1af: {  	v8 =	vsub.f32 v8, v13;
	v9 =	vld.idx.msk [tilespmem:v9+s1+$0x0], $0xffff;
	[tilespmem:s26+$0x17800] =	vst v10  }
0x1b0: {  	v13 =	vor.u32 $0x100, v6;
	v12 =	vsub.f32 v15, v12;
	s26 =	sor.u32 $0x380, s30;
	v10 =	vld.idx.msk [tilespmem:v17+s1+$0x0], $0xffff  }
0x1b1: {  	s28 =	sor.u32 $0x380, s28;
	v15 =	vld [tilespmem:s11+$0x14B00];
	[tilespmem:s26+$0x17800] =	vst v8  }
0x1b2: {  	v16 =	vor.u32 $0x180, v4;
	v8 =	vld [tilespmem:s19+$0x14B00];
	[tilespmem:s28+$0x17800] =	vst v12  }
0x1b3: {  	v20 =	vor.u32 $0x280, v2;
	v12 =	vor.u32 $0x180, v6;
	v17 =	vld [tilespmem:s19+$0x14100]  }
0x1b4: {  	v23 =	vor.u32 $0x200, v1;
	v24 =	vor.u32 $0x200, v5;
	v25 =	vor.u32 $0x200, v0;
	v21 =	vld [tilespmem:s20+$0x14B00]  }
0x1b5: {  	v26 =	vor.u32 $0x200, v4;
	v18 =	vsub.f32 v18, v19;
	v19 =	vor.u32 $0x200, v2;
	v13 =	vld.idx.msk [tilespmem:v13+s1+$0x0], $0xffff  }
0x1b6: {  	v10 =	vsub.f32 v10, v11;
	v11 =	vor.u32 $0x200, v3;
	v27 =	vld [tilespmem:s5+$0x0];
	v28 =	vshll.u32 v15, $0x3  }
0x1b7: {  	v28 =	vand.u32 $0xFFFFFC00, v28;
	v29 =	vshll.u32 v8, $0x3;
	[tilespmem:s13+$0x180] =	vst v18;
	v16 =	vld.idx.msk [tilespmem:v16+s1+$0x0], $0xffff;
	v18 =	vor.u32 $0x180, v7  }
0x1b8: {  	v8 =	vand.u32 $0x7F, v8;
	v30 =	vld [tilespmem:s20+$0x14100];
	v31 =	vshll.u32 v17, $0x3;
	v29 =	vand.u32 $0xFFFFFC00, v29;
	[tilespmem:s12+$0x180] =	vst v10  }
0x1b9: {  	v10 =	vshll.u32 v22, $0x3;
	v32 =	vshll.u32 v21, $0x3;
	v8 =	vor.u32 v8, v29;
	v23 =	vld.idx.msk [tilespmem:v23+s1+$0x0], $0xffff  }
0x1ba: {  	v22 =	vand.u32 $0x7F, v22;
	v10 =	vand.u32 $0xFFFFFC00, v10;
	v29 =	vand.u32 $0xFFFFFC00, v31;
	v19 =	vld.idx.msk [tilespmem:v19+s1+$0x0], $0xffff  }
0x1bb: {  	v10 =	vor.u32 v22, v10;
	v13 =	vsub.f32 v14, v13;
	v22 =	vand.u32 $0x7F, v27;
	v31 =	vld [tilespmem:s11+$0x14100]  }
0x1bc: {  	v14 =	vand.u32 $0x7F, v21;
	v21 =	vand.u32 $0xFFFFFC00, v32;
	v27 =	vshll.u32 v27, $0x3;
	v32 =	vld.idx.msk [tilespmem:v11+s1+$0x0], $0xffff  }
0x1bd: {  	v14 =	vor.u32 v14, v21;
	s11 =	simm.s32 $0x1;
	v9 =	vsub.f32 v16, v9;
	v11 =	vshll.u32 v30, $0x3;
	v16 =	vld.idx.msk [tilespmem:v25+s1+$0x0], $0xffff;
	[tilespmem:s29+$0x100] =	vst v13  }
0x1be: {  	s0 =	sadd.s32 $0x200, s0;
	s11 =	simm.s32 @!p0 $0x0;
	v13 =	vand.u32 $0xFFFFFC00, v27;
	v21 =	vand.u32 $0x7F, v30;
	v25 =	vand.u32 $0xFFFFFC00, v11;
	v18 =	vld.idx.msk [tilespmem:v18+s1+$0x0], $0xffff  }
0x1bf: {  	s11 =	sshll.u32 s11, $0x6;
	v11 =	vor.u32 v22, v13;
	v21 =	vor.u32 v21, v25;
	[tilespmem:s2+$0x180] =	vst v9;
	v22 =	vld.idx.msk [tilespmem:v12+s1+$0x0], $0xffff  }
0x1c0: {  	s26 =	sadd.s32 s11, s6;
	s6 =	smov.u32 s0;
	v12 =	vsub.f32 v23, v19;
	v9 =	vshll.u32 v31, $0x3;
	v19 =	vld.idx.msk [tilespmem:v26+s1+$0x0], $0xffff  }
0x1c1: {  	s2 =	sand.u32 $0x3C00, s0;
	s12 =	sor.u32 $0x200, s26;
	s11 =	sadd.s32 $0x20, s26;
	v13 =	vand.u32 $0x7F, v31;
	v9 =	vand.u32 $0xFFFFFC00, v9;
	v23 =	vld.idx.msk [tilespmem:v24+s1+$0x0], $0xffff;
	v24 =	vor.u32 $0x280, v3  }
0x1c2: {  	s30 =	sadd.s32 $0x30, s26;
	s19 =	sadd.s32 $0x17800, s2;
	v13 =	vor.u32 v13, v9;
	v9 =	vand.u32 $0x7F, v15;
	v25 =	vld.idx.msk [tilespmem:v14+s1+$0x0], $0xffff;
	[tilespmem:s12+$0x17800] =	vst v12  }
0x1c3: {  	v26 =	vor.u32 $0x80, v8;
	s13 =	sor.u32 s21, s19;
	s2 =	sor.u32 s17, s19;
	s12 =	sor.u32 s18, s19;
	v15 =	vsub.f32 v32, v16;
	v12 =	vor.u32 v9, v28;
	v20 =	vld.idx.msk [tilespmem:v20+s1+$0x0], $0xffff  }
0x1c4: {  	s17 =	sor.u32 $0x200, s11;
	v9 =	vor.u32 $0x180, v12;
	v16 =	vld.idx.msk [tilespmem:v21+s1+$0x0], $0xffff  }
0x1c5: {  	v30 =	vor.u32 $0x280, v0;
	s18 =	sor.u32 s22, s19;
	v28 =	vor.u32 $0x80, v10;
	v27 =	vld.idx.msk [tilespmem:v10+s1+$0x0], $0xffff;
	[tilespmem:s17+$0x17800] =	vst v15;
	v15 =	vsub.f32 v18, v22  }
0x1c6: {  	v22 =	vor.u32 $0x200, v7;
	v18 =	vld.idx.msk [tilespmem:v24+s1+$0x0], $0xffff  }
0x1c7: {  	v17 =	vand.u32 $0x7F, v17;
	s28 =	sadd.s32 $0x10, s26;
	v19 =	vsub.f32 v19, v23;
	v23 =	vor.u32 $0x200, v6;
	v24 =	vld.idx.msk [tilespmem:v11+s1+$0x0], $0xffff;
	[tilespmem:s29+$0x180] =	vst v15;
	s29 =	smov.u32 s18  }
0x1c8: {  	s17 =	sor.u32 $0x200, s28;
	v15 =	vor.u32 v17, v29;
	v31 =	vld.idx.msk [tilespmem:v12+s1+$0x0], $0xffff  }
0x1c9: {  	v17 =	vld.idx.msk [tilespmem:v13+s1+$0x0], $0xffff;
	[tilespmem:s17+$0x17800] =	vst v19  }
0x1ca: {  	v19 =	vor.u32 $0x280, v4;
	v29 =	vld.idx.msk [tilespmem:v30+s1+$0x0], $0xffff  }
0x1cb: {  	v30 =	vor.u32 $0x280, v5;
	v22 =	vld.idx.msk [tilespmem:v22+s1+$0x0], $0xffff  }
0x1cc: {  	v32 =	vor.u32 $0x80, v13;
	v16 =	vsub.f32 v16, v25;
	v25 =	vor.u32 $0x80, v21;
	v23 =	vld.idx.msk [tilespmem:v23+s1+$0x0], $0xffff  }
0x1cd: {  	v33 =	vor.u32 $0x80, v14;
	v24 =	vsub.f32 v27, v24;
	v27 =	vor.u32 $0x80, v12;
	v34 =	vld.idx.msk [tilespmem:v15+s1+$0x0], $0xffff  }
0x1ce: {  	v35 =	vor.u32 $0x300, v3;
	[tilespmem:s12+$0x0] =	vst v16;
	v16 =	vld.idx.msk [tilespmem:v8+s1+$0x0], $0xffff  }
0x1cf: {  	v36 =	vor.u32 $0x100, v10;
	v17 =	vsub.f32 v17, v31;
	v31 =	vor.u32 $0x300, v0;
	v19 =	vld.idx.msk [tilespmem:v19+s1+$0x0], $0xffff  }
0x1d0: {  	v37 =	vor.u32 $0x280, v1;
	v18 =	vsub.f32 v18, v29;
	v30 =	vld.idx.msk [tilespmem:v30+s1+$0x0], $0xffff  }
0x1d1: {  	s17 =	sor.u32 $0x280, s11;
	[tilespmem:s2+$0x0] =	vst v17;
	v17 =	vld.idx.msk [tilespmem:v25+s1+$0x0], $0xffff  }
0x1d2: {  	v29 =	vor.u32 $0x80, v15;
	v25 =	vor.u32 $0x80, v11;
	v27 =	vld.idx.msk [tilespmem:v27+s1+$0x0], $0xffff;
	[tilespmem:s17+$0x17800] =	vst v18;
	v18 =	vsub.f32 v22, v23  }
0x1d3: {  	s17 =	sor.u32 $0x200, s30;
	v22 =	vld.idx.msk [tilespmem:v35+s1+$0x0], $0xffff  }
0x1d4: {  	v16 =	vsub.f32 v34, v16;
	v23 =	vld.idx.msk [tilespmem:v31+s1+$0x0], $0xffff;
	[tilespmem:s17+$0x17800] =	vst v18;
	v18 =	vor.u32 $0x280, v7  }
0x1d5: {  	v31 =	vor.u32 $0x280, v6;
	[tilespmem:s13+$0x0] =	vst v24;
	v24 =	vld.idx.msk [tilespmem:v37+s1+$0x0], $0xffff  }
0x1d6: {  	v28 =	vld.idx.msk [tilespmem:v28+s1+$0x0], $0xffff;
	[tilespmem:s29+$0x0] =	vst v16;
	v16 =	vsub.f32 v19, v30  }
0x1d7: {  	s17 =	sor.u32 $0x280, s28;
	v19 =	vor.u32 $0x100, v13;
	v29 =	vld.idx.msk [tilespmem:v29+s1+$0x0], $0xffff  }
0x1d8: {  	v26 =	vld.idx.msk [tilespmem:v26+s1+$0x0], $0xffff;
	[tilespmem:s17+$0x17800] =	vst v16;
	v16 =	vor.u32 $0x380, v3;
	v3 =	vmov v21  }
0x1d9: {  	v21 =	vor.u32 $0x380, v0;
	v0 =	vmov v14;
	v18 =	vld.idx.msk [tilespmem:v18+s1+$0x0], $0xffff  }
0x1da: {  	v14 =	vor.u32 $0x300, v4;
	v22 =	vsub.f32 v22, v23;
	v23 =	vld.idx.msk [tilespmem:v31+s1+$0x0], $0xffff  }
0x1db: {  	v30 =	vor.u32 $0x100, v11;
	s17 =	sor.u32 $0x300, s11;
	v20 =	vsub.f32 v24, v20;
	v24 =	vor.u32 $0x300, v5;
	v31 =	vld.idx.msk [tilespmem:v33+s1+$0x0], $0xffff  }
0x1dc: {  	s18 =	sor.u32 $0x280, s26;
	v32 =	vld.idx.msk [tilespmem:v32+s1+$0x0], $0xffff;
	[tilespmem:s17+$0x17800] =	vst v22  }
0x1dd: {  	[tilespmem:s18+$0x17800] =	vst v20;
	v20 =	vor.u32 $0x300, v2;
	v16 =	vld.idx.msk [tilespmem:v16+s1+$0x0], $0xffff  }
0x1de: {  	v22 =	vsub.f32 v29, v26;
	v26 =	vor.u32 $0x100, v15;
	v21 =	vld.idx.msk [tilespmem:v21+s1+$0x0], $0xffff  }
0x1df: {  	v33 =	vor.u32 $0x300, v7;
	v29 =	vld.idx.msk [tilespmem:v14+s1+$0x0], $0xffff  }
0x1e0: {  	v14 =	vsub.f32 v18, v23;
	[tilespmem:s29+$0x80] =	vst v22;
	v22 =	vor.u32 $0x300, v1;
	v24 =	vld.idx.msk [tilespmem:v24+s1+$0x0], $0xffff  }
0x1e1: {  	s17 =	sor.u32 $0x280, s30;
	v23 =	vor.u32 $0x300, v6;
	v17 =	vsub.f32 v17, v31;
	v18 =	vld.idx.msk [tilespmem:v25+s1+$0x0], $0xffff  }
0x1e2: {  	v25 =	vsub.f32 v32, v27;
	v20 =	vld.idx.msk [tilespmem:v20+s1+$0x0], $0xffff;
	[tilespmem:s17+$0x17800] =	vst v14  }
0x1e3: {  	v27 =	vor.u32 $0x100, v12;
	[tilespmem:s12+$0x80] =	vst v17;
	v14 =	vld.idx.msk [tilespmem:v26+s1+$0x0], $0xffff  }
0x1e4: {  	v17 =	vor.u32 $0x380, v5;
	v16 =	vsub.f32 v16, v21;
	v5 =	vmov v12;
	[tilespmem:s2+$0x80] =	vst v25;
	v21 =	vld.idx.msk [tilespmem:v33+s1+$0x0], $0xffff  }
0x1e5: {  	s11 =	sor.u32 $0x380, s11;
	v22 =	vld.idx.msk [tilespmem:v22+s1+$0x0], $0xffff  }
0x1e6: {  	p0 =	por !p0, !p0;
	v12 =	vsub.f32 v29, v24;
	[tilespmem:s11+$0x17800] =	vst v16;
	v23 =	vld.idx.msk [tilespmem:v23+s1+$0x0], $0xffff  }
0x1e7: {  	v16 =	vsub.f32 v28, v18;
	s11 =	sor.u32 $0x300, s28;
	v18 =	vld.idx.msk [tilespmem:v19+s1+$0x0], $0xffff;
	v19 =	vor.u32 $0x100, v3  }
0x1e8: {  	v25 =	vor.u32 $0x100, v0;
	v24 =	vld.idx.msk [tilespmem:v27+s1+$0x0], $0xffff;
	[tilespmem:s11+$0x17800] =	vst v12  }
0x1e9: {  	v26 =	vor.u32 $0x380, v1;
	v1 =	vmov v10;
	[tilespmem:s13+$0x80] =	vst v16;
	v12 =	vld.idx.msk [tilespmem:v17+s1+$0x0], $0xffff  }
0x1ea: {  	v28 =	vor.u32 $0x380, v2;
	v2 =	vmov v11;
	v27 =	vld.idx.msk [tilespmem:v36+s1+$0x0], $0xffff  }
0x1eb: {  	v10 =	vsub.f32 v22, v20;
	v20 =	vor.u32 $0x380, v7;
	v7 =	vmov v15;
	v29 =	vld.idx.msk [tilespmem:v30+s1+$0x0], $0xffff  }
0x1ec: {  	s11 =	sor.u32 $0x300, s26;
	v22 =	vor.u32 $0x380, v6;
	v6 =	vmov v8;
	v11 =	vsub.f32 v21, v23;
	v16 =	vld.idx.msk [tilespmem:v19+s1+$0x0], $0xffff  }
.Ltmp6:
0x1ed: {  	v15 =	vor.u32 $0x380, v4;
	v4 =	vmov v13;
	v17 =	vld.idx.msk [tilespmem:v25+s1+$0x0], $0xffff;
	[tilespmem:s11+$0x17800] =	vst v10;
	s11 =	sor.u32 $0x300, s30;
	(pc) =	sbr.rel @p1 .LBB2_6-.Ltmp6, $4  }
0x1ee: {  	v8 =	vsub.f32 v18, v24;
	v10 =	vld.idx.msk [tilespmem:v26+s1+$0x0], $0xffff;
	[tilespmem:s11+$0x17800] =	vst v11  }
0x1ef: {  	v18 =	vor.u32 $0x180, v1;
	v11 =	vld.idx.msk [tilespmem:v28+s1+$0x0], $0xffff  }
0x1f0: {  	v19 =	vor.u32 $0x180, v2;
	[tilespmem:s2+$0x100] =	vst v8;
	v8 =	vld.idx.msk [tilespmem:v20+s1+$0x0], $0xffff  }
0x1f1: {  	s10 =	sadd.s32 $0x40, s10;
	s5 =	sadd.s32 $0x40, s5;
	v21 =	vsub.f32 v27, v29;
	v20 =	vor.u32 $0x180, v0;
	v13 =	vld.idx.msk [tilespmem:v22+s1+$0x0], $0xffff  }
0x1f2: {  	v22 =	vor.u32 $0x100, v6;
	_ =	sdelay $0x2  }
0x1f3: {  	v48 =	vor.u32 $0x180, v4;
	_ =	sdelay $0x1  }
0x1f4: {  	v23 =	vor.u32 $0x180, v3;
	v22 =	vld.idx.msk [tilespmem:v22+s1+$0x0], $0xffff  }
0x1f5: {  	v16 =	vsub.f32 v16, v17  }
0x1f6: {  	v9 =	vld.idx.msk [tilespmem:v9+s1+$0x0], $0xffff  }
0x1f7: {  	v50 =	vor.u32 $0x180, v7;
	[tilespmem:s12+$0x100] =	vst v16;
	v17 =	vld.idx.msk [tilespmem:v48+s1+$0x0], $0xffff  }
0x1f8: {  	v24 =	vor.u32 $0x180, v6;
	v16 =	vld.idx.msk [tilespmem:v20+s1+$0x0], $0xffff  }
0x1f9: {  	[tilespmem:s13+$0x100] =	vst v21;
	v49 =	vld.idx.msk [tilespmem:v23+s1+$0x0], $0xffff;
	v14 =	vsub.f32 v14, v22  }
0x1fa: {  	v53 =	vor.u32 $0x200, v4;
	v18 =	vld.idx.msk [tilespmem:v18+s1+$0x0], $0xffff  }
0x1fb: {  	v55 =	vor.u32 $0x200, v5;
	v19 =	vld.idx.msk [tilespmem:v19+s1+$0x0], $0xffff;
	[tilespmem:s29+$0x100] =	vst v14  }
0x1fc: {  	v51 =	vor.u32 $0x200, v3;
	v9 =	vsub.f32 v17, v9;
	v54 =	vld.idx.msk [tilespmem:v50+s1+$0x0], $0xffff  }
0x1fd: {  	v52 =	vor.u32 $0x200, v0;
	v24 =	vld.idx.msk [tilespmem:v24+s1+$0x0], $0xffff  }
0x1fe: {  	v57 =	vor.u32 $0x200, v2;
	v16 =	vsub.f32 v49, v16;
	[tilespmem:s2+$0x180] =	vst v9  }
0x1ff: {  	v56 =	vor.u32 $0x200, v1;
	v14 =	vld.idx.msk [tilespmem:v53+s1+$0x0], $0xffff  }
0x200: {  	v59 =	vor.u32 $0x200, v7;
	v18 =	vsub.f32 v18, v19;
	[tilespmem:s12+$0x180] =	vst v16;
	v61 =	vld.idx.msk [tilespmem:v55+s1+$0x0], $0xffff  }
0x201: {  	s0 =	simm.s32 $0x1;
	v60 =	vor.u32 $0x200, v6;
	v21 =	vld.idx.msk [tilespmem:v51+s1+$0x0], $0xffff  }
0x202: {  	s0 =	simm.s32 @!p0 $0x0;
	[tilespmem:s13+$0x180] =	vst v18;
	v58 =	vld.idx.msk [tilespmem:v52+s1+$0x0], $0xffff;
	v20 =	vsub.f32 v54, v24  }
0x203: {  	v28 =	vor.u32 $0x280, v4;
	s0 =	sshll.u32 s0, $0x6;
	v17 =	vld.idx.msk [tilespmem:v57+s1+$0x0], $0xffff  }
0x204: {  	v29 =	vor.u32 $0x280, v5;
	s0 =	sadd.s32 s0, s6;
	v16 =	vld.idx.msk [tilespmem:v56+s1+$0x0], $0xffff;
	[tilespmem:s29+$0x180] =	vst v20  }
0x205: {  	v62 =	vor.u32 $0x280, v3;
	s31 =	sadd.s32 $0x10, s0;
	v14 =	vsub.f32 v14, v61;
	v9 =	vld.idx.msk [tilespmem:v59+s1+$0x0], $0xffff  }
0x206: {  	v63 =	vor.u32 $0x280, v0;
	s7 =	sor.u32 $0x200, s31;
	v22 =	vld.idx.msk [tilespmem:v60+s1+$0x0], $0xffff  }
0x207: {  	v32 =	vor.u32 $0x280, v1;
	v19 =	vsub.f32 v21, v58;
	s29 =	sadd.s32 $0x20, s0;
	[tilespmem:s7+$0x17800] =	vst v14  }
0x208: {  	v30 =	vor.u32 $0x280, v2;
	s5 =	sor.u32 $0x200, s29;
	v20 =	vld.idx.msk [tilespmem:v28+s1+$0x0], $0xffff  }
0x209: {  	v34 =	vor.u32 $0x280, v7;
	v16 =	vsub.f32 v16, v17;
	v36 =	vld.idx.msk [tilespmem:v29+s1+$0x0], $0xffff;
	[tilespmem:s5+$0x17800] =	vst v19  }
0x20a: {  	v35 =	vor.u32 $0x280, v6;
	s10 =	sor.u32 $0x200, s0;
	v31 =	vld.idx.msk [tilespmem:v62+s1+$0x0], $0xffff  }
0x20b: {  	s11 =	sadd.s32 $0x30, s0;
	[tilespmem:s10+$0x17800] =	vst v16;
	v33 =	vld.idx.msk [tilespmem:v63+s1+$0x0], $0xffff;
	v9 =	vsub.f32 v9, v22  }
0x20c: {  	v40 =	vor.u32 $0x300, v4;
	s7 =	sor.u32 $0x200, s11;
	v39 =	vld.idx.msk [tilespmem:v32+s1+$0x0], $0xffff  }
0x20d: {  	v42 =	vor.u32 $0x300, v5;
	v19 =	vld.idx.msk [tilespmem:v30+s1+$0x0], $0xffff;
	[tilespmem:s7+$0x17800] =	vst v9  }
0x20e: {  	v37 =	vor.u32 $0x300, v3;
	v43 =	vsub.f32 v20, v36;
	v17 =	vld.idx.msk [tilespmem:v34+s1+$0x0], $0xffff  }
0x20f: {  	v38 =	vor.u32 $0x300, v0;
	s13 =	sor.u32 $0x280, s31;
	v41 =	vld.idx.msk [tilespmem:v35+s1+$0x0], $0xffff  }
0x210: {  	v44 =	vor.u32 $0x300, v2;
	v14 =	vsub.f32 v31, v33;
	[tilespmem:s13+$0x17800] =	vst v43  }
0x211: {  	v46 =	vor.u32 $0x300, v1;
	s12 =	sor.u32 $0x280, s29;
	v18 =	vld.idx.msk [tilespmem:v40+s1+$0x0], $0xffff  }
0x212: {  	v47 =	vor.u32 $0x300, v7;
	v9 =	vsub.f32 v39, v19;
	v50 =	vld.idx.msk [tilespmem:v42+s1+$0x0], $0xffff;
	[tilespmem:s12+$0x17800] =	vst v14  }
0x213: {  	s17 =	sor.u32 $0x280, s0;
	v48 =	vor.u32 $0x300, v6;
	v45 =	vld.idx.msk [tilespmem:v37+s1+$0x0], $0xffff  }
0x214: {  	[tilespmem:s17+$0x17800] =	vst v9;
	v22 =	vld.idx.msk [tilespmem:v38+s1+$0x0], $0xffff;
	v49 =	vsub.f32 v17, v41  }
0x215: {  	s18 =	sor.u32 $0x280, s11;
	v54 =	vor.u32 $0x380, v5;
	v16 =	vld.idx.msk [tilespmem:v44+s1+$0x0], $0xffff  }
0x216: {  	v59 =	vor.u32 $0x380, v4;
	v52 =	vld.idx.msk [tilespmem:v46+s1+$0x0], $0xffff;
	[tilespmem:s18+$0x17800] =	vst v49  }
0x217: {  	v51 =	vor.u32 $0x380, v3;
	v17 =	vsub.f32 v18, v50;
	v14 =	vld.idx.msk [tilespmem:v47+s1+$0x0], $0xffff  }
0x218: {  	s20 =	sor.u32 $0x300, s31;
	v53 =	vor.u32 $0x380, v0;
	v19 =	vld.idx.msk [tilespmem:v48+s1+$0x0], $0xffff  }
0x219: {  	v15 =	vld.idx.msk [tilespmem:v15+s1+$0x0], $0xffff;
	v55 =	vor.u32 $0x380, v1;
	v20 =	vsub.f32 v45, v22;
	[tilespmem:s20+$0x17800] =	vst v17  }
0x21a: {  	v56 =	vor.u32 $0x380, v2;
	s19 =	sor.u32 $0x300, s29;
	v5 =	vld.idx.msk [tilespmem:v54+s1+$0x0], $0xffff  }
0x21b: {  	v57 =	vor.u32 $0x380, v7;
	v9 =	vsub.f32 v52, v16;
	v4 =	vld.idx.msk [tilespmem:v59+s1+$0x0], $0xffff;
	[tilespmem:s19+$0x17800] =	vst v20  }
0x21c: {  	s21 =	sor.u32 $0x300, s0;
	v58 =	vor.u32 $0x380, v6;
	v3 =	vld.idx.msk [tilespmem:v51+s1+$0x0], $0xffff  }
0x21d: {  	[tilespmem:s21+$0x17800] =	vst v9;
	v0 =	vld.idx.msk [tilespmem:v53+s1+$0x0], $0xffff;
	v14 =	vsub.f32 v14, v19  }
0x21e: {  	s22 =	sor.u32 $0x300, s11;
	v1 =	vld.idx.msk [tilespmem:v55+s1+$0x0], $0xffff  }
0x21f: {  	v2 =	vld.idx.msk [tilespmem:v56+s1+$0x0], $0xffff;
	[tilespmem:s22+$0x17800] =	vst v14  }
0x220: {  	v8 =	vsub.f32 v8, v13;
	v7 =	vld.idx.msk [tilespmem:v57+s1+$0x0], $0xffff  }
0x221: {  	s25 =	sor.u32 $0x380, s26;
	s26 =	sor.u32 $0x380, s30;
	v61 =	vsub.f32 v15, v12;
	v6 =	vld.idx.msk [tilespmem:v58+s1+$0x0], $0xffff  }
0x222: {  	[tilespmem:s26+$0x17800] =	vst v8;
	s10 =	sor.u32 $0x380, s28;
	v60 =	vsub.f32 v10, v11  }
0x223: {  	[tilespmem:s10+$0x17800] =	vst v61;
	v63 =	vsub.f32 v4, v5  }
0x224: {  	s5 =	sor.u32 $0x380, s31;
	[tilespmem:s25+$0x17800] =	vst v60;
	v0 =	vsub.f32 v3, v0  }
.Ltmp7:
0x225: {  	s2 =	sor.u32 $0x380, s29;
	v1 =	vsub.f32 v1, v2;
	[tilespmem:s5+$0x17800] =	vst v63;
	(pc) =	sbr.rel .LBB2_8-.Ltmp7, $4  }
0x226: {  	s0 =	sor.u32 $0x380, s0;
	s29 =	smul.u32 $0x500, s24;
	[tilespmem:s2+$0x17800] =	vst v0;
	v62 =	vsub.f32 v7, v6  }
0x227: {  	s28 =	sor.u32 $0x380, s11;
	[tilespmem:s0+$0x17800] =	vst v1  }
0x228: {  	s31 =	simm.s32 $0x17800;
	s30 =	sadd.s32 s29, s8;
	[tilespmem:s28+$0x17800] =	vst v62  }
0x229: {  	[hbm4b:s30+s1] =	stream.linear.scatter [tilespmem:s31], [sflag:$0x6], $0x2800, $0x38;
	[tilespmem:$0x1A000] =	vst v63  }
.LBB2_10:
0x22a: {  	_ =	sfence.sel $0x180000  }
0x22b: {  	[bflag:$0x0] =	sbarrier.arrive $0xFFFF  }
0x22c: {  	_ =	strace $0x90000047  }
0x22d: {  	s0 =	stileid.u32;
	[bflag:$0x2] =	sbarrier.arrive $0xFFFF  }
0x22e: {  	p0 =	sne.s32 s0, $0x0;
	s0 =	rddreg [dreg:$0x3]  }
0x22f: {  	s0 =	sadd.s32 @!p0 $0x100000, s0  }
0x230: {  	[sflag:s0] =	ssyncadd.tile.s32 @!p0 $0x1;
	_ =	shalt  }
.Lfunc_end2:
_tile_overlayer_lowered:
.L_overlay_start_2:
0x231: {  	(tag) =	ssettag $0x2  }
0x232: {  	s0 =	rddreg [dreg:$0x0];
	s2 =	stileid.u32  }
0x233: {  	s1 =	rddreg [dreg:$0x1];
	p0 =	sne.s32 s2, $0x0  }
0x234: {  	s3 =	rddreg [dreg:$0x2];
	[bflag:$0x3] =	sbarrier.arrive $0xFFFF;
	s2 =	simm.s32 @!p0 $0x1C07  }
0x235: {  	[timem:s3], [sflag:s2] =	dma.local @!p0 [hbm:s0], s1  }
0x236: {  	s0 =	simm.s32 @!p0 $0x7  }
0x237: {  	_ =	swait.ge @!p0 [sflag:s0], s1  }
0x238: {  	s1 =	ssub.s32 @!p0 $0x0, s1;
	[sflag:s0] =	ssyncset.done @!p0 $0x0  }
0x239: {  	[sflag:s0] =	ssyncadd.s32 @!p0 s1  }
0x23a: {  	[bflag:$0x3] =	sbarrier.arrive $0xFFFF  }
0x23b: {  	_ =	shalt  }

</sc_bundles>
